<compile_context>
chip_gen: v7x
topology: tpu7x:2x2x1
jax: 0.10.2.dev20260603
libtpu: 0.0.44.dev20260713+nightly
codegen_flags: <defaults>
</compile_context>

<pallas_src>
import functools

import jax
import jax.numpy as jnp
from jax import lax
from jax.experimental import pallas as pl
from jax.experimental.pallas import tpu as pltpu
from jax.experimental.pallas import tpu_sc as plsc

_B = 512
_A = 64
_RB = 128
_PB = 128
_NBOND = 160
_D = 256
_L = 16
_NJ = _D // _L
_NC = 2
_NS = 16
_NW = _NC * _NS
_CH = 64

_RSC = 256
_RWB = _RSC // _NW


def _sc_bond(bond):
    mesh = plsc.VectorSubcoreMesh(core_axis_name="c", subcore_axis_name="s")

    @functools.partial(
        pl.kernel,
        out_type=jax.ShapeDtypeStruct((_RSC, _D), jnp.float32),
        mesh=mesh,
        scratch_types=[
            pltpu.VMEM((_CH, _D), jnp.float32),
            pltpu.VMEM((_CH, _D), jnp.float32),
            pltpu.VMEM((_RWB, _D), jnp.float32),
            pltpu.SemaphoreType.DMA,
            pltpu.SemaphoreType.DMA,
        ],
    )
    def k(bond_hbm, bondout_hbm, buf0, buf1, bout_v, sem0, sem1):
        wid = lax.axis_index("s") * _NC + lax.axis_index("c")
        b0 = wid * _RWB

        def issue(chunk, b, buf, sem):
            if chunk == 0:
                src = bond_hbm.at[pl.ds(b * _RB, _CH)]
            elif chunk == 1:
                src = bond_hbm.at[pl.ds(b * _RB + _CH, _CH)]
            elif chunk == 2:
                src = bond_hbm.at[pl.ds(_B * _RB + b * _PB, _CH)]
            else:
                src = bond_hbm.at[pl.ds(_B * _RB + b * _PB + _CH, _CH)]
            pltpu.async_copy(src, buf, sem)

        def wait(buf, sem):
            pltpu.make_async_copy(bond_hbm.at[pl.ds(0, _CH)], buf, sem).wait()

        def accum(buf, acc, sign):
            def body(r, a):
                if sign > 0:
                    return tuple(a[j] + buf[r, pl.ds(_L * j, _L)]
                                 for j in range(_NJ))
                return tuple(a[j] - buf[r, pl.ds(_L * j, _L)]
                             for j in range(_NJ))
            return lax.fori_loop(0, _CH, body, acc)

        zeros = tuple(jnp.zeros((_L,), jnp.float32) for _ in range(_NJ))

        issue(0, b0, buf0, sem0)
        issue(1, b0, buf1, sem1)

        def rxn_body(i, carry):
            b = b0 + i
            nb = lax.min(b + 1, b0 + (_RWB - 1))

            wait(buf0, sem0)
            acc_b = accum(buf0, zeros, -1)
            issue(2, b, buf0, sem0)

            wait(buf1, sem1)
            acc_b = accum(buf1, acc_b, -1)
            issue(3, b, buf1, sem1)

            wait(buf0, sem0)
            acc_b = accum(buf0, acc_b, +1)
            issue(0, nb, buf0, sem0)

            wait(buf1, sem1)
            acc_b = accum(buf1, acc_b, +1)
            issue(1, nb, buf1, sem1)
            for j in range(_NJ):
                bout_v[i, pl.ds(_L * j, _L)] = acc_b[j] * (1.0 / _NBOND)
            return carry

        lax.fori_loop(0, _RWB, rxn_body, 0)
        wait(buf0, sem0)
        wait(buf1, sem1)
        pltpu.sync_copy(bout_v, bondout_hbm.at[pl.ds(b0, _RWB)])

    return k(bond)



_ABLK = 64
_RTC = _B - _RSC
_BBLK = 32


def _atom_body(r_ref, p_ref, o_ref):
    r = r_ref[...].reshape(_ABLK, _A, _D)
    p = p_ref[...].reshape(_ABLK, _A, _D)
    o_ref[...] = (p.sum(axis=1) - r.sum(axis=1)) * (1.0 / _A)


_atom_pool = pl.pallas_call(
    _atom_body,
    grid=(_B // _ABLK,),
    in_specs=[
        pl.BlockSpec((_ABLK * _A, _D), lambda i: (i, 0)),
        pl.BlockSpec((_ABLK * _A, _D), lambda i: (i + _B // _ABLK, 0)),
    ],
    out_specs=pl.BlockSpec((_ABLK, _D), lambda i: (i, 0)),
    out_shape=jax.ShapeDtypeStruct((_B, _D), jnp.float32),
)


def _bond_body(r_ref, p_ref, o_ref):
    r = r_ref[...].reshape(_BBLK, _RB, _D)
    p = p_ref[...].reshape(_BBLK, _PB, _D)
    o_ref[...] = (p.sum(axis=1) - r.sum(axis=1)) * (1.0 / _NBOND)


_bond_pool_tc = pl.pallas_call(
    _bond_body,
    grid=(_RTC // _BBLK,),
    in_specs=[
        pl.BlockSpec((_BBLK * _RB, _D), lambda i: (_RSC // _BBLK + i, 0)),
        pl.BlockSpec((_BBLK * _PB, _D),
                     lambda i: (_B // _BBLK + _RSC // _BBLK + i, 0)),
    ],
    out_specs=pl.BlockSpec((_BBLK, _D), lambda i: (i, 0)),
    out_shape=jax.ShapeDtypeStruct((_RTC, _D), jnp.float32),
)


def _mm_body(a_ref, bs_ref, bt_ref, g_ref, w_ref, dep_ref, o_ref):
    gr = g_ref[0:2 * _B].reshape(_B, 2, _D)
    gp = g_ref[2 * _B:]
    diff_glob = gp - gr[:, 0, :] - gr[:, 1, :]
    x = jnp.concatenate(
        [a_ref[...],
         jnp.concatenate([bs_ref[...], bt_ref[...]], axis=0),
         diff_glob], axis=-1)
    o_ref[...] = jnp.dot(x, w_ref[...],
                         preferred_element_type=jnp.float32) + dep_ref[0]


_mm = pl.pallas_call(
    _mm_body,
    out_shape=jax.ShapeDtypeStruct((_B, 512), jnp.float32),
    in_specs=[
        pl.BlockSpec(memory_space=pltpu.VMEM),
        pl.BlockSpec(memory_space=pltpu.VMEM),
        pl.BlockSpec(memory_space=pltpu.VMEM),
        pl.BlockSpec(memory_space=pltpu.VMEM),
        pl.BlockSpec(memory_space=pltpu.VMEM),
        pl.BlockSpec(memory_space=pltpu.SMEM),
    ],
    out_specs=pl.BlockSpec(memory_space=pltpu.VMEM),
)


def kernel(atom_feats, bond_feats, global_feats, W, batch_size, atoms_per_rxn,
           reactant_bonds_per_rxn, product_bonds_per_rxn,
           unchanged_bonds_per_rxn, reactant_mols_per_rxn,
           product_mols_per_rxn):
    sc_bond = _sc_bond(bond_feats)
    apool = _atom_pool(atom_feats, atom_feats)
    bpool_tc = _bond_pool_tc(bond_feats, bond_feats)
    dep = (batch_size + reactant_bonds_per_rxn + product_bonds_per_rxn
           + unchanged_bonds_per_rxn + reactant_mols_per_rxn
           + product_mols_per_rxn - (512 + 128 + 128 + 96 + 2 + 1))
    dep = jnp.asarray(dep, jnp.float32).reshape(1)
    return _mm(apool, sc_bond, bpool_tc, global_feats, W, dep)

# --- scband reference (transcript-rebuilt; emitter-appended) ---
"""Pipeline reference for scband-reaction-encoder-75711683494310 (READ-ONLY COPY).

The authoritative reference and input builder live on the scoring server;
editing this copy changes nothing except your own understanding.
"""

import jax, jax.numpy as jnp
import numpy as np


def setup_inputs(seed: int = 0) -> dict:
    key = jax.random.key(seed)
    ks = jax.random.split(key, 4)
    B = 512
    A = 64
    RB = 128
    PB = 128
    UB = 96
    RM = 2
    PM = 1
    d = 256
    atom_feats = jax.random.normal(ks[0], (2 * B * A, d), dtype=jnp.float32)
    bond_feats = jax.random.normal(ks[1], (B * (RB + PB), d), dtype=jnp.float32)
    global_feats = jax.random.normal(ks[2], (B * (RM + PM), d), dtype=jnp.float32)
    W = jax.random.normal(ks[3], (3 * d, 512), dtype=jnp.float32) / np.sqrt(3 * d)
    return {
        "atom_feats": atom_feats,
        "bond_feats": bond_feats,
        "global_feats": global_feats,
        "W": W,
        "batch_size": B,
        "atoms_per_rxn": A,
        "reactant_bonds_per_rxn": RB,
        "product_bonds_per_rxn": PB,
        "unchanged_bonds_per_rxn": UB,
        "reactant_mols_per_rxn": RM,
        "product_mols_per_rxn": PM,
    }


def reference(atom_feats, bond_feats, global_feats, W, batch_size, atoms_per_rxn,
              reactant_bonds_per_rxn, product_bonds_per_rxn, unchanged_bonds_per_rxn,
              reactant_mols_per_rxn, product_mols_per_rxn):
    B = 512
    d = atom_feats.shape[-1]
    A_s = atom_feats.shape[0] // (2 * B)
    RB_s = 128
    PB_s = bond_feats.shape[0] // B - RB_s
    u_s = 96
    PM_s = 1
    RM_s = global_feats.shape[0] // B - PM_s

    # ---- atom diff feats: product - reactant (get_atom_diff_feats) ----
    n_atoms = B * A_s
    reactant_atom = atom_feats[:n_atoms]
    product_atom = atom_feats[n_atoms:]
    diff_atom = product_atom - reactant_atom  # [B*A, d]

    # ---- bond diff feats (get_bond_diff_feats), uniform ragged segments ----
    n_rb = B * RB_s
    r_bond = bond_feats[:n_rb].reshape(B, RB_s, d)
    p_bond = bond_feats[n_rb:].reshape(B, PB_s, d)
    u = u_s
    unchanged = p_bond[:, :u, :] - r_bond[:, :u, :]
    lost = -r_bond[:, u:, :]
    added = p_bond[:, u:, :]
    diff_bond = jnp.concatenate([unchanged, lost, added], axis=1)  # [B, u+(RB-u)+(PB-u), d]

    # ---- global diff feats (get_global_diff_feats) via segment_sum ----
    n_rm = B * RM_s
    r_glob = global_feats[:n_rm]
    p_glob = global_feats[n_rm:]
    r_seg = jnp.repeat(jnp.arange(B), RM_s)
    p_seg = jnp.repeat(jnp.arange(B), PM_s)
    sum_r = jax.ops.segment_sum(r_glob, r_seg, num_segments=B)
    sum_p = jax.ops.segment_sum(p_glob, p_seg, num_segments=B)
    diff_global = sum_p - sum_r  # [B, d]

    # ---- readout: mean pool atom/bond diff per reaction, concat, linear ----
    atom_seg = jnp.repeat(jnp.arange(B), A_s)
    atom_pool = jax.ops.segment_sum(diff_atom, atom_seg, num_segments=B) / atoms_per_rxn
    bond_pool = jnp.mean(diff_bond, axis=1)
    rxn_feats = jnp.concatenate([atom_pool, bond_pool, diff_global], axis=-1)  # [B, 3d]
    out = rxn_feats @ W  # [B, 512]
    dep = ((batch_size - B) + (reactant_bonds_per_rxn - RB_s)
           + (product_bonds_per_rxn - PB_s) + (unchanged_bonds_per_rxn - u_s)
           + (reactant_mols_per_rxn - RM_s) + (product_mols_per_rxn - PM_s))
    out = out + dep
    return out

if __name__ == "__main__":
    import jax
    _d = setup_inputs()
    print(jax.jit(kernel)(*tuple(_d.values())))

</pallas_src>

<mosaic_0001>
#map = affine_map<(d0, d1) -> (0, 0)>
module attributes {stable_mosaic.version = 14 : i64} {
  func.func @k(%arg0: i32, %arg1: i32, %arg2: memref<131072x256xf32, #tpu.memory_space<hbm>>, %arg3: memref<256x256xf32, #tpu.memory_space<hbm>>, %arg4: memref<64x256xf32, #tpu.memory_space<vmem>>, %arg5: memref<64x256xf32, #tpu.memory_space<vmem>>, %arg6: memref<8x256xf32, #tpu.memory_space<vmem>>, %arg7: memref<!tpu.dma_semaphore, #tpu.memory_space<semaphore_mem>>, %arg8: memref<!tpu.dma_semaphore, #tpu.memory_space<semaphore_mem>>) attributes {dimension_semantics = [#tpu.dimension_semantics<core_parallel>, #tpu.dimension_semantics<subcore_parallel>], iteration_bounds = array<i64: 2, 16>, scalar_prefetch = 0 : i64, scratch_operands = 5 : i64, tpu.core_type = #tpu.core_type<sc_vector_subcore>, window_params = [{transform_indices = #map}, {transform_indices = #map}]} {
    %mul3A = arith.constant 2 : i32
    %mul3A_0 = arith.muli %arg1, %mul3A : i32
    %add3A = arith.addi %mul3A_0, %arg0 : i32
    %mul3A_1 = arith.constant 8 : i32
    %mul3A_2 = arith.muli %add3A, %mul3A_1 : i32
    %broadcast_in_dim3A = arith.constant 0.000000e+00 : f32
    %broadcast_in_dim3A_3 = vector.broadcast %broadcast_in_dim3A : f32 to vector<16xf32>
    %broadcast_in_dim3A_4 = arith.constant 0.000000e+00 : f32
    %broadcast_in_dim3A_5 = vector.broadcast %broadcast_in_dim3A_4 : f32 to vector<16xf32>
    %broadcast_in_dim3A_6 = arith.constant 0.000000e+00 : f32
    %broadcast_in_dim3A_7 = vector.broadcast %broadcast_in_dim3A_6 : f32 to vector<16xf32>
    %broadcast_in_dim3A_8 = arith.constant 0.000000e+00 : f32
    %broadcast_in_dim3A_9 = vector.broadcast %broadcast_in_dim3A_8 : f32 to vector<16xf32>
    %broadcast_in_dim3A_10 = arith.constant 0.000000e+00 : f32
    %broadcast_in_dim3A_11 = vector.broadcast %broadcast_in_dim3A_10 : f32 to vector<16xf32>
    %broadcast_in_dim3A_12 = arith.constant 0.000000e+00 : f32
    %broadcast_in_dim3A_13 = vector.broadcast %broadcast_in_dim3A_12 : f32 to vector<16xf32>
    %broadcast_in_dim3A_14 = arith.constant 0.000000e+00 : f32
    %broadcast_in_dim3A_15 = vector.broadcast %broadcast_in_dim3A_14 : f32 to vector<16xf32>
    %broadcast_in_dim3A_16 = arith.constant 0.000000e+00 : f32
    %broadcast_in_dim3A_17 = vector.broadcast %broadcast_in_dim3A_16 : f32 to vector<16xf32>
    %broadcast_in_dim3A_18 = arith.constant 0.000000e+00 : f32
    %broadcast_in_dim3A_19 = vector.broadcast %broadcast_in_dim3A_18 : f32 to vector<16xf32>
    %broadcast_in_dim3A_20 = arith.constant 0.000000e+00 : f32
    %broadcast_in_dim3A_21 = vector.broadcast %broadcast_in_dim3A_20 : f32 to vector<16xf32>
    %broadcast_in_dim3A_22 = arith.constant 0.000000e+00 : f32
    %broadcast_in_dim3A_23 = vector.broadcast %broadcast_in_dim3A_22 : f32 to vector<16xf32>
    %broadcast_in_dim3A_24 = arith.constant 0.000000e+00 : f32
    %broadcast_in_dim3A_25 = vector.broadcast %broadcast_in_dim3A_24 : f32 to vector<16xf32>
    %broadcast_in_dim3A_26 = arith.constant 0.000000e+00 : f32
    %broadcast_in_dim3A_27 = vector.broadcast %broadcast_in_dim3A_26 : f32 to vector<16xf32>
    %broadcast_in_dim3A_28 = arith.constant 0.000000e+00 : f32
    %broadcast_in_dim3A_29 = vector.broadcast %broadcast_in_dim3A_28 : f32 to vector<16xf32>
    %broadcast_in_dim3A_30 = arith.constant 0.000000e+00 : f32
    %broadcast_in_dim3A_31 = vector.broadcast %broadcast_in_dim3A_30 : f32 to vector<16xf32>
    %broadcast_in_dim3A_32 = arith.constant 0.000000e+00 : f32
    %broadcast_in_dim3A_33 = vector.broadcast %broadcast_in_dim3A_32 : f32 to vector<16xf32>
    %mul3A_34 = arith.constant 128 : i32
    %mul3A_35 = arith.muli %mul3A_2, %mul3A_34 : i32
    %dma_start3A = arith.constant 0 : i32
    %dma_start3A_36 = tpu.memref_slice %arg2[%mul3A_35, %dma_start3A] : memref<131072x256xf32, #tpu.memory_space<hbm>> -> memref<64x256xf32, #tpu.memory_space<hbm>>
    %dma_start3A_37 = arith.constant 0 : i32
    %dma_start3A_38 = tpu.memref_slice %arg2[%mul3A_35, %dma_start3A_37] : memref<131072x256xf32, #tpu.memory_space<hbm>> -> memref<64x256xf32, #tpu.memory_space<hbm>>
    tpu.enqueue_dma source(%dma_start3A_38 : memref<64x256xf32, #tpu.memory_space<hbm>>) target(%arg4 : memref<64x256xf32, #tpu.memory_space<vmem>>) target_semaphore(%arg7 : memref<!tpu.dma_semaphore, #tpu.memory_space<semaphore_mem>>)
    %mul3A_39 = arith.constant 128 : i32
    %mul3A_40 = arith.muli %mul3A_2, %mul3A_39 : i32
    %add3A_41 = arith.constant 64 : i32
    %add3A_42 = arith.addi %mul3A_40, %add3A_41 : i32
    %dma_start3A_43 = arith.constant 0 : i32
    %dma_start3A_44 = tpu.memref_slice %arg2[%add3A_42, %dma_start3A_43] : memref<131072x256xf32, #tpu.memory_space<hbm>> -> memref<64x256xf32, #tpu.memory_space<hbm>>
    %dma_start3A_45 = arith.constant 0 : i32
    %dma_start3A_46 = tpu.memref_slice %arg2[%add3A_42, %dma_start3A_45] : memref<131072x256xf32, #tpu.memory_space<hbm>> -> memref<64x256xf32, #tpu.memory_space<hbm>>
    tpu.enqueue_dma source(%dma_start3A_46 : memref<64x256xf32, #tpu.memory_space<hbm>>) target(%arg5 : memref<64x256xf32, #tpu.memory_space<vmem>>) target_semaphore(%arg8 : memref<!tpu.dma_semaphore, #tpu.memory_space<semaphore_mem>>)
    %scan3A = arith.constant 0 : i32
    %scan3A_47 = arith.constant 0 : i32
    %scan3A_48 = arith.constant 8 : i32
    %scan3A_49 = arith.addi %scan3A_47, %scan3A_48 : i32
    %scan3A_50 = arith.constant 1 : i32
    scf.for %scan3A_63 = %scan3A_47 to %scan3A_49 step %scan3A_50  : i32 {
      %add3A_64 = arith.addi %mul3A_2, %scan3A_63 : i32
      %add3A_65 = arith.constant 1 : i32
      %add3A_66 = arith.addi %add3A_64, %add3A_65 : i32
      %add3A_67 = arith.constant 7 : i32
      %add3A_68 = arith.addi %mul3A_2, %add3A_67 : i32
      %min3A = arith.minsi %add3A_66, %add3A_68 : i32
      %dma_wait3A_69 = arith.constant 0 : i32
      %dma_wait3A_70 = arith.constant 0 : i32
      %dma_wait3A_71 = tpu.memref_slice %arg2[%dma_wait3A_69, %dma_wait3A_70] : memref<131072x256xf32, #tpu.memory_space<hbm>> -> memref<64x256xf32, #tpu.memory_space<hbm>>
      %dma_wait3A_72 = arith.constant 0 : i32
      %dma_wait3A_73 = arith.constant 0 : i32
      %dma_wait3A_74 = tpu.memref_slice %arg2[%dma_wait3A_72, %dma_wait3A_73] : memref<131072x256xf32, #tpu.memory_space<hbm>> -> memref<64x256xf32, #tpu.memory_space<hbm>>
      tpu.wait_dma2 semaphore(%arg7 : memref<!tpu.dma_semaphore, #tpu.memory_space<semaphore_mem>>) src(%dma_wait3A_74 : memref<64x256xf32, #tpu.memory_space<hbm>>) dst(%arg4 : memref<64x256xf32, #tpu.memory_space<vmem>>)
      %scan3A_75 = arith.constant 0 : i32
      %scan3A_76 = arith.constant 64 : i32
      %scan3A_77 = arith.addi %scan3A_75, %scan3A_76 : i32
      %scan3A_78 = arith.constant 1 : i32
      %scan3A_79:16 = scf.for %scan3A_276 = %scan3A_75 to %scan3A_77 step %scan3A_78 iter_args(%scan3A_277 = %broadcast_in_dim3A_3, %scan3A_278 = %broadcast_in_dim3A_5, %scan3A_279 = %broadcast_in_dim3A_7, %scan3A_280 = %broadcast_in_dim3A_9, %scan3A_281 = %broadcast_in_dim3A_11, %scan3A_282 = %broadcast_in_dim3A_13, %scan3A_283 = %broadcast_in_dim3A_15, %scan3A_284 = %broadcast_in_dim3A_17, %scan3A_285 = %broadcast_in_dim3A_19, %scan3A_286 = %broadcast_in_dim3A_21, %scan3A_287 = %broadcast_in_dim3A_23, %scan3A_288 = %broadcast_in_dim3A_25, %scan3A_289 = %broadcast_in_dim3A_27, %scan3A_290 = %broadcast_in_dim3A_29, %scan3A_291 = %broadcast_in_dim3A_31, %scan3A_292 = %broadcast_in_dim3A_33) -> (vector<16xf32>, vector<16xf32>, vector<16xf32>, vector<16xf32>, vector<16xf32>, vector<16xf32>, vector<16xf32>, vector<16xf32>, vector<16xf32>, vector<16xf32>, vector<16xf32>, vector<16xf32>, vector<16xf32>, vector<16xf32>, vector<16xf32>, vector<16xf32>)  : i32 {
        %get3A = arith.index_cast %scan3A_276 : i32 to index
        %get3A_293 = arith.constant 0 : index
        %get3A_294 = tpu.vector_load %arg4[%get3A, %get3A_293] {strides = array<i32>} : memref<64x256xf32, #tpu.memory_space<vmem>>, vector<1x16xf32>,
        %get3A_295 = vector.shape_cast %get3A_294 : vector<1x16xf32> to vector<16xf32>
        %sub3A = arith.subf %scan3A_277, %get3A_295 : vector<16xf32>
        %get3A_296 = arith.index_cast %scan3A_276 : i32 to index
        %get3A_297 = arith.constant 16 : index
        %get3A_298 = tpu.vector_load %arg4[%get3A_296, %get3A_297] {strides = array<i32>} : memref<64x256xf32, #tpu.memory_space<vmem>>, vector<1x16xf32>,
        %get3A_299 = vector.shape_cast %get3A_298 : vector<1x16xf32> to vector<16xf32>
        %sub3A_300 = arith.subf %scan3A_278, %get3A_299 : vector<16xf32>
        %get3A_301 = arith.index_cast %scan3A_276 : i32 to index
        %get3A_302 = arith.constant 32 : index
        %get3A_303 = tpu.vector_load %arg4[%get3A_301, %get3A_302] {strides = array<i32>} : memref<64x256xf32, #tpu.memory_space<vmem>>, vector<1x16xf32>,
        %get3A_304 = vector.shape_cast %get3A_303 : vector<1x16xf32> to vector<16xf32>
        %sub3A_305 = arith.subf %scan3A_279, %get3A_304 : vector<16xf32>
        %get3A_306 = arith.index_cast %scan3A_276 : i32 to index
        %get3A_307 = arith.constant 48 : index
        %get3A_308 = tpu.vector_load %arg4[%get3A_306, %get3A_307] {strides = array<i32>} : memref<64x256xf32, #tpu.memory_space<vmem>>, vector<1x16xf32>,
        %get3A_309 = vector.shape_cast %get3A_308 : vector<1x16xf32> to vector<16xf32>
        %sub3A_310 = arith.subf %scan3A_280, %get3A_309 : vector<16xf32>
        %get3A_311 = arith.index_cast %scan3A_276 : i32 to index
        %get3A_312 = arith.constant 64 : index
        %get3A_313 = tpu.vector_load %arg4[%get3A_311, %get3A_312] {strides = array<i32>} : memref<64x256xf32, #tpu.memory_space<vmem>>, vector<1x16xf32>,
        %get3A_314 = vector.shape_cast %get3A_313 : vector<1x16xf32> to vector<16xf32>
        %sub3A_315 = arith.subf %scan3A_281, %get3A_314 : vector<16xf32>
        %get3A_316 = arith.index_cast %scan3A_276 : i32 to index
        %get3A_317 = arith.constant 80 : index
        %get3A_318 = tpu.vector_load %arg4[%get3A_316, %get3A_317] {strides = array<i32>} : memref<64x256xf32, #tpu.memory_space<vmem>>, vector<1x16xf32>,
        %get3A_319 = vector.shape_cast %get3A_318 : vector<1x16xf32> to vector<16xf32>
        %sub3A_320 = arith.subf %scan3A_282, %get3A_319 : vector<16xf32>
        %get3A_321 = arith.index_cast %scan3A_276 : i32 to index
        %get3A_322 = arith.constant 96 : index
        %get3A_323 = tpu.vector_load %arg4[%get3A_321, %get3A_322] {strides = array<i32>} : memref<64x256xf32, #tpu.memory_space<vmem>>, vector<1x16xf32>,
        %get3A_324 = vector.shape_cast %get3A_323 : vector<1x16xf32> to vector<16xf32>
        %sub3A_325 = arith.subf %scan3A_283, %get3A_324 : vector<16xf32>
        %get3A_326 = arith.index_cast %scan3A_276 : i32 to index
        %get3A_327 = arith.constant 112 : index
        %get3A_328 = tpu.vector_load %arg4[%get3A_326, %get3A_327] {strides = array<i32>} : memref<64x256xf32, #tpu.memory_space<vmem>>, vector<1x16xf32>,
        %get3A_329 = vector.shape_cast %get3A_328 : vector<1x16xf32> to vector<16xf32>
        %sub3A_330 = arith.subf %scan3A_284, %get3A_329 : vector<16xf32>
        %get3A_331 = arith.index_cast %scan3A_276 : i32 to index
        %get3A_332 = arith.constant 128 : index
        %get3A_333 = tpu.vector_load %arg4[%get3A_331, %get3A_332] {strides = array<i32>} : memref<64x256xf32, #tpu.memory_space<vmem>>, vector<1x16xf32>,
        %get3A_334 = vector.shape_cast %get3A_333 : vector<1x16xf32> to vector<16xf32>
        %sub3A_335 = arith.subf %scan3A_285, %get3A_334 : vector<16xf32>
        %get3A_336 = arith.index_cast %scan3A_276 : i32 to index
        %get3A_337 = arith.constant 144 : index
        %get3A_338 = tpu.vector_load %arg4[%get3A_336, %get3A_337] {strides = array<i32>} : memref<64x256xf32, #tpu.memory_space<vmem>>, vector<1x16xf32>,
        %get3A_339 = vector.shape_cast %get3A_338 : vector<1x16xf32> to vector<16xf32>
        %sub3A_340 = arith.subf %scan3A_286, %get3A_339 : vector<16xf32>
        %get3A_341 = arith.index_cast %scan3A_276 : i32 to index
        %get3A_342 = arith.constant 160 : index
        %get3A_343 = tpu.vector_load %arg4[%get3A_341, %get3A_342] {strides = array<i32>} : memref<64x256xf32, #tpu.memory_space<vmem>>, vector<1x16xf32>,
        %get3A_344 = vector.shape_cast %get3A_343 : vector<1x16xf32> to vector<16xf32>
        %sub3A_345 = arith.subf %scan3A_287, %get3A_344 : vector<16xf32>
        %get3A_346 = arith.index_cast %scan3A_276 : i32 to index
        %get3A_347 = arith.constant 176 : index
        %get3A_348 = tpu.vector_load %arg4[%get3A_346, %get3A_347] {strides = array<i32>} : memref<64x256xf32, #tpu.memory_space<vmem>>, vector<1x16xf32>,
        %get3A_349 = vector.shape_cast %get3A_348 : vector<1x16xf32> to vector<16xf32>
        %sub3A_350 = arith.subf %scan3A_288, %get3A_349 : vector<16xf32>
        %get3A_351 = arith.index_cast %scan3A_276 : i32 to index
        %get3A_352 = arith.constant 192 : index
        %get3A_353 = tpu.vector_load %arg4[%get3A_351, %get3A_352] {strides = array<i32>} : memref<64x256xf32, #tpu.memory_space<vmem>>, vector<1x16xf32>,
        %get3A_354 = vector.shape_cast %get3A_353 : vector<1x16xf32> to vector<16xf32>
        %sub3A_355 = arith.subf %scan3A_289, %get3A_354 : vector<16xf32>
        %get3A_356 = arith.index_cast %scan3A_276 : i32 to index
        %get3A_357 = arith.constant 208 : index
        %get3A_358 = tpu.vector_load %arg4[%get3A_356, %get3A_357] {strides = array<i32>} : memref<64x256xf32, #tpu.memory_space<vmem>>, vector<1x16xf32>,
        %get3A_359 = vector.shape_cast %get3A_358 : vector<1x16xf32> to vector<16xf32>
        %sub3A_360 = arith.subf %scan3A_290, %get3A_359 : vector<16xf32>
        %get3A_361 = arith.index_cast %scan3A_276 : i32 to index
        %get3A_362 = arith.constant 224 : index
        %get3A_363 = tpu.vector_load %arg4[%get3A_361, %get3A_362] {strides = array<i32>} : memref<64x256xf32, #tpu.memory_space<vmem>>, vector<1x16xf32>,
        %get3A_364 = vector.shape_cast %get3A_363 : vector<1x16xf32> to vector<16xf32>
        %sub3A_365 = arith.subf %scan3A_291, %get3A_364 : vector<16xf32>
        %get3A_366 = arith.index_cast %scan3A_276 : i32 to index
        %get3A_367 = arith.constant 240 : index
        %get3A_368 = tpu.vector_load %arg4[%get3A_366, %get3A_367] {strides = array<i32>} : memref<64x256xf32, #tpu.memory_space<vmem>>, vector<1x16xf32>,
        %get3A_369 = vector.shape_cast %get3A_368 : vector<1x16xf32> to vector<16xf32>
        %sub3A_370 = arith.subf %scan3A_292, %get3A_369 : vector<16xf32>
        scf.yield %sub3A, %sub3A_300, %sub3A_305, %sub3A_310, %sub3A_315, %sub3A_320, %sub3A_325, %sub3A_330, %sub3A_335, %sub3A_340, %sub3A_345, %sub3A_350, %sub3A_355, %sub3A_360, %sub3A_365, %sub3A_370 : vector<16xf32>, vector<16xf32>, vector<16xf32>, vector<16xf32>, vector<16xf32>, vector<16xf32>, vector<16xf32>, vector<16xf32>, vector<16xf32>, vector<16xf32>, vector<16xf32>, vector<16xf32>, vector<16xf32>, vector<16xf32>, vector<16xf32>, vector<16xf32>
      }
      %scan3A_80 = arith.constant 64 : i32
      %mul3A_81 = arith.constant 128 : i32
      %mul3A_82 = arith.muli %add3A_64, %mul3A_81 : i32
      %add3A_83 = arith.constant 65536 : i32
      %add3A_84 = arith.addi %add3A_83, %mul3A_82 : i32
      %dma_start3A_85 = arith.constant 0 : i32
      %dma_start3A_86 = tpu.memref_slice %arg2[%add3A_84, %dma_start3A_85] : memref<131072x256xf32, #tpu.memory_space<hbm>> -> memref<64x256xf32, #tpu.memory_space<hbm>>
      %dma_start3A_87 = arith.constant 0 : i32
      %dma_start3A_88 = tpu.memref_slice %arg2[%add3A_84, %dma_start3A_87] : memref<131072x256xf32, #tpu.memory_space<hbm>> -> memref<64x256xf32, #tpu.memory_space<hbm>>
      tpu.enqueue_dma source(%dma_start3A_88 : memref<64x256xf32, #tpu.memory_space<hbm>>) target(%arg4 : memref<64x256xf32, #tpu.memory_space<vmem>>) target_semaphore(%arg7 : memref<!tpu.dma_semaphore, #tpu.memory_space<semaphore_mem>>)
      %dma_wait3A_89 = arith.constant 0 : i32
      %dma_wait3A_90 = arith.constant 0 : i32
      %dma_wait3A_91 = tpu.memref_slice %arg2[%dma_wait3A_89, %dma_wait3A_90] : memref<131072x256xf32, #tpu.memory_space<hbm>> -> memref<64x256xf32, #tpu.memory_space<hbm>>
      %dma_wait3A_92 = arith.constant 0 : i32
      %dma_wait3A_93 = arith.constant 0 : i32
      %dma_wait3A_94 = tpu.memref_slice %arg2[%dma_wait3A_92, %dma_wait3A_93] : memref<131072x256xf32, #tpu.memory_space<hbm>> -> memref<64x256xf32, #tpu.memory_space<hbm>>
      tpu.wait_dma2 semaphore(%arg8 : memref<!tpu.dma_semaphore, #tpu.memory_space<semaphore_mem>>) src(%dma_wait3A_94 : memref<64x256xf32, #tpu.memory_space<hbm>>) dst(%arg5 : memref<64x256xf32, #tpu.memory_space<vmem>>)
      %scan3A_95 = arith.constant 0 : i32
      %scan3A_96 = arith.constant 64 : i32
      %scan3A_97 = arith.addi %scan3A_95, %scan3A_96 : i32
      %scan3A_98 = arith.constant 1 : i32
      %scan3A_99:16 = scf.for %scan3A_276 = %scan3A_95 to %scan3A_97 step %scan3A_98 iter_args(%scan3A_277 = %scan3A_79#0, %scan3A_278 = %scan3A_79#1, %scan3A_279 = %scan3A_79#2, %scan3A_280 = %scan3A_79#3, %scan3A_281 = %scan3A_79#4, %scan3A_282 = %scan3A_79#5, %scan3A_283 = %scan3A_79#6, %scan3A_284 = %scan3A_79#7, %scan3A_285 = %scan3A_79#8, %scan3A_286 = %scan3A_79#9, %scan3A_287 = %scan3A_79#10, %scan3A_288 = %scan3A_79#11, %scan3A_289 = %scan3A_79#12, %scan3A_290 = %scan3A_79#13, %scan3A_291 = %scan3A_79#14, %scan3A_292 = %scan3A_79#15) -> (vector<16xf32>, vector<16xf32>, vector<16xf32>, vector<16xf32>, vector<16xf32>, vector<16xf32>, vector<16xf32>, vector<16xf32>, vector<16xf32>, vector<16xf32>, vector<16xf32>, vector<16xf32>, vector<16xf32>, vector<16xf32>, vector<16xf32>, vector<16xf32>)  : i32 {
        %get3A = arith.index_cast %scan3A_276 : i32 to index
        %get3A_293 = arith.constant 0 : index
        %get3A_294 = tpu.vector_load %arg5[%get3A, %get3A_293] {strides = array<i32>} : memref<64x256xf32, #tpu.memory_space<vmem>>, vector<1x16xf32>,
        %get3A_295 = vector.shape_cast %get3A_294 : vector<1x16xf32> to vector<16xf32>
        %sub3A = arith.subf %scan3A_277, %get3A_295 : vector<16xf32>
        %get3A_296 = arith.index_cast %scan3A_276 : i32 to index
        %get3A_297 = arith.constant 16 : index
        %get3A_298 = tpu.vector_load %arg5[%get3A_296, %get3A_297] {strides = array<i32>} : memref<64x256xf32, #tpu.memory_space<vmem>>, vector<1x16xf32>,
        %get3A_299 = vector.shape_cast %get3A_298 : vector<1x16xf32> to vector<16xf32>
        %sub3A_300 = arith.subf %scan3A_278, %get3A_299 : vector<16xf32>
        %get3A_301 = arith.index_cast %scan3A_276 : i32 to index
        %get3A_302 = arith.constant 32 : index
        %get3A_303 = tpu.vector_load %arg5[%get3A_301, %get3A_302] {strides = array<i32>} : memref<64x256xf32, #tpu.memory_space<vmem>>, vector<1x16xf32>,
        %get3A_304 = vector.shape_cast %get3A_303 : vector<1x16xf32> to vector<16xf32>
        %sub3A_305 = arith.subf %scan3A_279, %get3A_304 : vector<16xf32>
        %get3A_306 = arith.index_cast %scan3A_276 : i32 to index
        %get3A_307 = arith.constant 48 : index
        %get3A_308 = tpu.vector_load %arg5[%get3A_306, %get3A_307] {strides = array<i32>} : memref<64x256xf32, #tpu.memory_space<vmem>>, vector<1x16xf32>,
        %get3A_309 = vector.shape_cast %get3A_308 : vector<1x16xf32> to vector<16xf32>
        %sub3A_310 = arith.subf %scan3A_280, %get3A_309 : vector<16xf32>
        %get3A_311 = arith.index_cast %scan3A_276 : i32 to index
        %get3A_312 = arith.constant 64 : index
        %get3A_313 = tpu.vector_load %arg5[%get3A_311, %get3A_312] {strides = array<i32>} : memref<64x256xf32, #tpu.memory_space<vmem>>, vector<1x16xf32>,
        %get3A_314 = vector.shape_cast %get3A_313 : vector<1x16xf32> to vector<16xf32>
        %sub3A_315 = arith.subf %scan3A_281, %get3A_314 : vector<16xf32>
        %get3A_316 = arith.index_cast %scan3A_276 : i32 to index
        %get3A_317 = arith.constant 80 : index
        %get3A_318 = tpu.vector_load %arg5[%get3A_316, %get3A_317] {strides = array<i32>} : memref<64x256xf32, #tpu.memory_space<vmem>>, vector<1x16xf32>,
        %get3A_319 = vector.shape_cast %get3A_318 : vector<1x16xf32> to vector<16xf32>
        %sub3A_320 = arith.subf %scan3A_282, %get3A_319 : vector<16xf32>
        %get3A_321 = arith.index_cast %scan3A_276 : i32 to index
        %get3A_322 = arith.constant 96 : index
        %get3A_323 = tpu.vector_load %arg5[%get3A_321, %get3A_322] {strides = array<i32>} : memref<64x256xf32, #tpu.memory_space<vmem>>, vector<1x16xf32>,
        %get3A_324 = vector.shape_cast %get3A_323 : vector<1x16xf32> to vector<16xf32>
        %sub3A_325 = arith.subf %scan3A_283, %get3A_324 : vector<16xf32>
        %get3A_326 = arith.index_cast %scan3A_276 : i32 to index
        %get3A_327 = arith.constant 112 : index
        %get3A_328 = tpu.vector_load %arg5[%get3A_326, %get3A_327] {strides = array<i32>} : memref<64x256xf32, #tpu.memory_space<vmem>>, vector<1x16xf32>,
        %get3A_329 = vector.shape_cast %get3A_328 : vector<1x16xf32> to vector<16xf32>
        %sub3A_330 = arith.subf %scan3A_284, %get3A_329 : vector<16xf32>
        %get3A_331 = arith.index_cast %scan3A_276 : i32 to index
        %get3A_332 = arith.constant 128 : index
        %get3A_333 = tpu.vector_load %arg5[%get3A_331, %get3A_332] {strides = array<i32>} : memref<64x256xf32, #tpu.memory_space<vmem>>, vector<1x16xf32>,
        %get3A_334 = vector.shape_cast %get3A_333 : vector<1x16xf32> to vector<16xf32>
        %sub3A_335 = arith.subf %scan3A_285, %get3A_334 : vector<16xf32>
        %get3A_336 = arith.index_cast %scan3A_276 : i32 to index
        %get3A_337 = arith.constant 144 : index
        %get3A_338 = tpu.vector_load %arg5[%get3A_336, %get3A_337] {strides = array<i32>} : memref<64x256xf32, #tpu.memory_space<vmem>>, vector<1x16xf32>,
        %get3A_339 = vector.shape_cast %get3A_338 : vector<1x16xf32> to vector<16xf32>
        %sub3A_340 = arith.subf %scan3A_286, %get3A_339 : vector<16xf32>
        %get3A_341 = arith.index_cast %scan3A_276 : i32 to index
        %get3A_342 = arith.constant 160 : index
        %get3A_343 = tpu.vector_load %arg5[%get3A_341, %get3A_342] {strides = array<i32>} : memref<64x256xf32, #tpu.memory_space<vmem>>, vector<1x16xf32>,
        %get3A_344 = vector.shape_cast %get3A_343 : vector<1x16xf32> to vector<16xf32>
        %sub3A_345 = arith.subf %scan3A_287, %get3A_344 : vector<16xf32>
        %get3A_346 = arith.index_cast %scan3A_276 : i32 to index
        %get3A_347 = arith.constant 176 : index
        %get3A_348 = tpu.vector_load %arg5[%get3A_346, %get3A_347] {strides = array<i32>} : memref<64x256xf32, #tpu.memory_space<vmem>>, vector<1x16xf32>,
        %get3A_349 = vector.shape_cast %get3A_348 : vector<1x16xf32> to vector<16xf32>
        %sub3A_350 = arith.subf %scan3A_288, %get3A_349 : vector<16xf32>
        %get3A_351 = arith.index_cast %scan3A_276 : i32 to index
        %get3A_352 = arith.constant 192 : index
        %get3A_353 = tpu.vector_load %arg5[%get3A_351, %get3A_352] {strides = array<i32>} : memref<64x256xf32, #tpu.memory_space<vmem>>, vector<1x16xf32>,
        %get3A_354 = vector.shape_cast %get3A_353 : vector<1x16xf32> to vector<16xf32>
        %sub3A_355 = arith.subf %scan3A_289, %get3A_354 : vector<16xf32>
        %get3A_356 = arith.index_cast %scan3A_276 : i32 to index
        %get3A_357 = arith.constant 208 : index
        %get3A_358 = tpu.vector_load %arg5[%get3A_356, %get3A_357] {strides = array<i32>} : memref<64x256xf32, #tpu.memory_space<vmem>>, vector<1x16xf32>,
        %get3A_359 = vector.shape_cast %get3A_358 : vector<1x16xf32> to vector<16xf32>
        %sub3A_360 = arith.subf %scan3A_290, %get3A_359 : vector<16xf32>
        %get3A_361 = arith.index_cast %scan3A_276 : i32 to index
        %get3A_362 = arith.constant 224 : index
        %get3A_363 = tpu.vector_load %arg5[%get3A_361, %get3A_362] {strides = array<i32>} : memref<64x256xf32, #tpu.memory_space<vmem>>, vector<1x16xf32>,
        %get3A_364 = vector.shape_cast %get3A_363 : vector<1x16xf32> to vector<16xf32>
        %sub3A_365 = arith.subf %scan3A_291, %get3A_364 : vector<16xf32>
        %get3A_366 = arith.index_cast %scan3A_276 : i32 to index
        %get3A_367 = arith.constant 240 : index
        %get3A_368 = tpu.vector_load %arg5[%get3A_366, %get3A_367] {strides = array<i32>} : memref<64x256xf32, #tpu.memory_space<vmem>>, vector<1x16xf32>,
        %get3A_369 = vector.shape_cast %get3A_368 : vector<1x16xf32> to vector<16xf32>
        %sub3A_370 = arith.subf %scan3A_292, %get3A_369 : vector<16xf32>
        scf.yield %sub3A, %sub3A_300, %sub3A_305, %sub3A_310, %sub3A_315, %sub3A_320, %sub3A_325, %sub3A_330, %sub3A_335, %sub3A_340, %sub3A_345, %sub3A_350, %sub3A_355, %sub3A_360, %sub3A_365, %sub3A_370 : vector<16xf32>, vector<16xf32>, vector<16xf32>, vector<16xf32>, vector<16xf32>, vector<16xf32>, vector<16xf32>, vector<16xf32>, vector<16xf32>, vector<16xf32>, vector<16xf32>, vector<16xf32>, vector<16xf32>, vector<16xf32>, vector<16xf32>, vector<16xf32>
      }
      %scan3A_100 = arith.constant 64 : i32
      %mul3A_101 = arith.constant 128 : i32
      %mul3A_102 = arith.muli %add3A_64, %mul3A_101 : i32
      %add3A_103 = arith.constant 65536 : i32
      %add3A_104 = arith.addi %add3A_103, %mul3A_102 : i32
      %add3A_105 = arith.constant 64 : i32
      %add3A_106 = arith.addi %add3A_104, %add3A_105 : i32
      %dma_start3A_107 = arith.constant 0 : i32
      %dma_start3A_108 = tpu.memref_slice %arg2[%add3A_106, %dma_start3A_107] : memref<131072x256xf32, #tpu.memory_space<hbm>> -> memref<64x256xf32, #tpu.memory_space<hbm>>
      %dma_start3A_109 = arith.constant 0 : i32
      %dma_start3A_110 = tpu.memref_slice %arg2[%add3A_106, %dma_start3A_109] : memref<131072x256xf32, #tpu.memory_space<hbm>> -> memref<64x256xf32, #tpu.memory_space<hbm>>
      tpu.enqueue_dma source(%dma_start3A_110 : memref<64x256xf32, #tpu.memory_space<hbm>>) target(%arg5 : memref<64x256xf32, #tpu.memory_space<vmem>>) target_semaphore(%arg8 : memref<!tpu.dma_semaphore, #tpu.memory_space<semaphore_mem>>)
      %dma_wait3A_111 = arith.constant 0 : i32
      %dma_wait3A_112 = arith.constant 0 : i32
      %dma_wait3A_113 = tpu.memref_slice %arg2[%dma_wait3A_111, %dma_wait3A_112] : memref<131072x256xf32, #tpu.memory_space<hbm>> -> memref<64x256xf32, #tpu.memory_space<hbm>>
      %dma_wait3A_114 = arith.constant 0 : i32
      %dma_wait3A_115 = arith.constant 0 : i32
      %dma_wait3A_116 = tpu.memref_slice %arg2[%dma_wait3A_114, %dma_wait3A_115] : memref<131072x256xf32, #tpu.memory_space<hbm>> -> memref<64x256xf32, #tpu.memory_space<hbm>>
      tpu.wait_dma2 semaphore(%arg7 : memref<!tpu.dma_semaphore, #tpu.memory_space<semaphore_mem>>) src(%dma_wait3A_116 : memref<64x256xf32, #tpu.memory_space<hbm>>) dst(%arg4 : memref<64x256xf32, #tpu.memory_space<vmem>>)
      %scan3A_117 = arith.constant 0 : i32
      %scan3A_118 = arith.constant 64 : i32
      %scan3A_119 = arith.addi %scan3A_117, %scan3A_118 : i32
      %scan3A_120 = arith.constant 1 : i32
      %scan3A_121:16 = scf.for %scan3A_276 = %scan3A_117 to %scan3A_119 step %scan3A_120 iter_args(%scan3A_277 = %scan3A_99#0, %scan3A_278 = %scan3A_99#1, %scan3A_279 = %scan3A_99#2, %scan3A_280 = %scan3A_99#3, %scan3A_281 = %scan3A_99#4, %scan3A_282 = %scan3A_99#5, %scan3A_283 = %scan3A_99#6, %scan3A_284 = %scan3A_99#7, %scan3A_285 = %scan3A_99#8, %scan3A_286 = %scan3A_99#9, %scan3A_287 = %scan3A_99#10, %scan3A_288 = %scan3A_99#11, %scan3A_289 = %scan3A_99#12, %scan3A_290 = %scan3A_99#13, %scan3A_291 = %scan3A_99#14, %scan3A_292 = %scan3A_99#15) -> (vector<16xf32>, vector<16xf32>, vector<16xf32>, vector<16xf32>, vector<16xf32>, vector<16xf32>, vector<16xf32>, vector<16xf32>, vector<16xf32>, vector<16xf32>, vector<16xf32>, vector<16xf32>, vector<16xf32>, vector<16xf32>, vector<16xf32>, vector<16xf32>)  : i32 {
        %get3A = arith.index_cast %scan3A_276 : i32 to index
        %get3A_293 = arith.constant 0 : index
        %get3A_294 = tpu.vector_load %arg4[%get3A, %get3A_293] {strides = array<i32>} : memref<64x256xf32, #tpu.memory_space<vmem>>, vector<1x16xf32>,
        %get3A_295 = vector.shape_cast %get3A_294 : vector<1x16xf32> to vector<16xf32>
        %add3A_296 = arith.addf %scan3A_277, %get3A_295 : vector<16xf32>
        %get3A_297 = arith.index_cast %scan3A_276 : i32 to index
        %get3A_298 = arith.constant 16 : index
        %get3A_299 = tpu.vector_load %arg4[%get3A_297, %get3A_298] {strides = array<i32>} : memref<64x256xf32, #tpu.memory_space<vmem>>, vector<1x16xf32>,
        %get3A_300 = vector.shape_cast %get3A_299 : vector<1x16xf32> to vector<16xf32>
        %add3A_301 = arith.addf %scan3A_278, %get3A_300 : vector<16xf32>
        %get3A_302 = arith.index_cast %scan3A_276 : i32 to index
        %get3A_303 = arith.constant 32 : index
        %get3A_304 = tpu.vector_load %arg4[%get3A_302, %get3A_303] {strides = array<i32>} : memref<64x256xf32, #tpu.memory_space<vmem>>, vector<1x16xf32>,
        %get3A_305 = vector.shape_cast %get3A_304 : vector<1x16xf32> to vector<16xf32>
        %add3A_306 = arith.addf %scan3A_279, %get3A_305 : vector<16xf32>
        %get3A_307 = arith.index_cast %scan3A_276 : i32 to index
        %get3A_308 = arith.constant 48 : index
        %get3A_309 = tpu.vector_load %arg4[%get3A_307, %get3A_308] {strides = array<i32>} : memref<64x256xf32, #tpu.memory_space<vmem>>, vector<1x16xf32>,
        %get3A_310 = vector.shape_cast %get3A_309 : vector<1x16xf32> to vector<16xf32>
        %add3A_311 = arith.addf %scan3A_280, %get3A_310 : vector<16xf32>
        %get3A_312 = arith.index_cast %scan3A_276 : i32 to index
        %get3A_313 = arith.constant 64 : index
        %get3A_314 = tpu.vector_load %arg4[%get3A_312, %get3A_313] {strides = array<i32>} : memref<64x256xf32, #tpu.memory_space<vmem>>, vector<1x16xf32>,
        %get3A_315 = vector.shape_cast %get3A_314 : vector<1x16xf32> to vector<16xf32>
        %add3A_316 = arith.addf %scan3A_281, %get3A_315 : vector<16xf32>
        %get3A_317 = arith.index_cast %scan3A_276 : i32 to index
        %get3A_318 = arith.constant 80 : index
        %get3A_319 = tpu.vector_load %arg4[%get3A_317, %get3A_318] {strides = array<i32>} : memref<64x256xf32, #tpu.memory_space<vmem>>, vector<1x16xf32>,
        %get3A_320 = vector.shape_cast %get3A_319 : vector<1x16xf32> to vector<16xf32>
        %add3A_321 = arith.addf %scan3A_282, %get3A_320 : vector<16xf32>
        %get3A_322 = arith.index_cast %scan3A_276 : i32 to index
        %get3A_323 = arith.constant 96 : index
        %get3A_324 = tpu.vector_load %arg4[%get3A_322, %get3A_323] {strides = array<i32>} : memref<64x256xf32, #tpu.memory_space<vmem>>, vector<1x16xf32>,
        %get3A_325 = vector.shape_cast %get3A_324 : vector<1x16xf32> to vector<16xf32>
        %add3A_326 = arith.addf %scan3A_283, %get3A_325 : vector<16xf32>
        %get3A_327 = arith.index_cast %scan3A_276 : i32 to index
        %get3A_328 = arith.constant 112 : index
        %get3A_329 = tpu.vector_load %arg4[%get3A_327, %get3A_328] {strides = array<i32>} : memref<64x256xf32, #tpu.memory_space<vmem>>, vector<1x16xf32>,
        %get3A_330 = vector.shape_cast %get3A_329 : vector<1x16xf32> to vector<16xf32>
        %add3A_331 = arith.addf %scan3A_284, %get3A_330 : vector<16xf32>
        %get3A_332 = arith.index_cast %scan3A_276 : i32 to index
        %get3A_333 = arith.constant 128 : index
        %get3A_334 = tpu.vector_load %arg4[%get3A_332, %get3A_333] {strides = array<i32>} : memref<64x256xf32, #tpu.memory_space<vmem>>, vector<1x16xf32>,
        %get3A_335 = vector.shape_cast %get3A_334 : vector<1x16xf32> to vector<16xf32>
        %add3A_336 = arith.addf %scan3A_285, %get3A_335 : vector<16xf32>
        %get3A_337 = arith.index_cast %scan3A_276 : i32 to index
        %get3A_338 = arith.constant 144 : index
        %get3A_339 = tpu.vector_load %arg4[%get3A_337, %get3A_338] {strides = array<i32>} : memref<64x256xf32, #tpu.memory_space<vmem>>, vector<1x16xf32>,
        %get3A_340 = vector.shape_cast %get3A_339 : vector<1x16xf32> to vector<16xf32>
        %add3A_341 = arith.addf %scan3A_286, %get3A_340 : vector<16xf32>
        %get3A_342 = arith.index_cast %scan3A_276 : i32 to index
        %get3A_343 = arith.constant 160 : index
        %get3A_344 = tpu.vector_load %arg4[%get3A_342, %get3A_343] {strides = array<i32>} : memref<64x256xf32, #tpu.memory_space<vmem>>, vector<1x16xf32>,
        %get3A_345 = vector.shape_cast %get3A_344 : vector<1x16xf32> to vector<16xf32>
        %add3A_346 = arith.addf %scan3A_287, %get3A_345 : vector<16xf32>
        %get3A_347 = arith.index_cast %scan3A_276 : i32 to index
        %get3A_348 = arith.constant 176 : index
        %get3A_349 = tpu.vector_load %arg4[%get3A_347, %get3A_348] {strides = array<i32>} : memref<64x256xf32, #tpu.memory_space<vmem>>, vector<1x16xf32>,
        %get3A_350 = vector.shape_cast %get3A_349 : vector<1x16xf32> to vector<16xf32>
        %add3A_351 = arith.addf %scan3A_288, %get3A_350 : vector<16xf32>
        %get3A_352 = arith.index_cast %scan3A_276 : i32 to index
        %get3A_353 = arith.constant 192 : index
        %get3A_354 = tpu.vector_load %arg4[%get3A_352, %get3A_353] {strides = array<i32>} : memref<64x256xf32, #tpu.memory_space<vmem>>, vector<1x16xf32>,
        %get3A_355 = vector.shape_cast %get3A_354 : vector<1x16xf32> to vector<16xf32>
        %add3A_356 = arith.addf %scan3A_289, %get3A_355 : vector<16xf32>
        %get3A_357 = arith.index_cast %scan3A_276 : i32 to index
        %get3A_358 = arith.constant 208 : index
        %get3A_359 = tpu.vector_load %arg4[%get3A_357, %get3A_358] {strides = array<i32>} : memref<64x256xf32, #tpu.memory_space<vmem>>, vector<1x16xf32>,
        %get3A_360 = vector.shape_cast %get3A_359 : vector<1x16xf32> to vector<16xf32>
        %add3A_361 = arith.addf %scan3A_290, %get3A_360 : vector<16xf32>
        %get3A_362 = arith.index_cast %scan3A_276 : i32 to index
        %get3A_363 = arith.constant 224 : index
        %get3A_364 = tpu.vector_load %arg4[%get3A_362, %get3A_363] {strides = array<i32>} : memref<64x256xf32, #tpu.memory_space<vmem>>, vector<1x16xf32>,
        %get3A_365 = vector.shape_cast %get3A_364 : vector<1x16xf32> to vector<16xf32>
        %add3A_366 = arith.addf %scan3A_291, %get3A_365 : vector<16xf32>
        %get3A_367 = arith.index_cast %scan3A_276 : i32 to index
        %get3A_368 = arith.constant 240 : index
        %get3A_369 = tpu.vector_load %arg4[%get3A_367, %get3A_368] {strides = array<i32>} : memref<64x256xf32, #tpu.memory_space<vmem>>, vector<1x16xf32>,
        %get3A_370 = vector.shape_cast %get3A_369 : vector<1x16xf32> to vector<16xf32>
        %add3A_371 = arith.addf %scan3A_292, %get3A_370 : vector<16xf32>
        scf.yield %add3A_296, %add3A_301, %add3A_306, %add3A_311, %add3A_316, %add3A_321, %add3A_326, %add3A_331, %add3A_336, %add3A_341, %add3A_346, %add3A_351, %add3A_356, %add3A_361, %add3A_366, %add3A_371 : vector<16xf32>, vector<16xf32>, vector<16xf32>, vector<16xf32>, vector<16xf32>, vector<16xf32>, vector<16xf32>, vector<16xf32>, vector<16xf32>, vector<16xf32>, vector<16xf32>, vector<16xf32>, vector<16xf32>, vector<16xf32>, vector<16xf32>, vector<16xf32>
      }
      %scan3A_122 = arith.constant 64 : i32
      %mul3A_123 = arith.constant 128 : i32
      %mul3A_124 = arith.muli %min3A, %mul3A_123 : i32
      %dma_start3A_125 = arith.constant 0 : i32
      %dma_start3A_126 = tpu.memref_slice %arg2[%mul3A_124, %dma_start3A_125] : memref<131072x256xf32, #tpu.memory_space<hbm>> -> memref<64x256xf32, #tpu.memory_space<hbm>>
      %dma_start3A_127 = arith.constant 0 : i32
      %dma_start3A_128 = tpu.memref_slice %arg2[%mul3A_124, %dma_start3A_127] : memref<131072x256xf32, #tpu.memory_space<hbm>> -> memref<64x256xf32, #tpu.memory_space<hbm>>
      tpu.enqueue_dma source(%dma_start3A_128 : memref<64x256xf32, #tpu.memory_space<hbm>>) target(%arg4 : memref<64x256xf32, #tpu.memory_space<vmem>>) target_semaphore(%arg7 : memref<!tpu.dma_semaphore, #tpu.memory_space<semaphore_mem>>)
      %dma_wait3A_129 = arith.constant 0 : i32
      %dma_wait3A_130 = arith.constant 0 : i32
      %dma_wait3A_131 = tpu.memref_slice %arg2[%dma_wait3A_129, %dma_wait3A_130] : memref<131072x256xf32, #tpu.memory_space<hbm>> -> memref<64x256xf32, #tpu.memory_space<hbm>>
      %dma_wait3A_132 = arith.constant 0 : i32
      %dma_wait3A_133 = arith.constant 0 : i32
      %dma_wait3A_134 = tpu.memref_slice %arg2[%dma_wait3A_132, %dma_wait3A_133] : memref<131072x256xf32, #tpu.memory_space<hbm>> -> memref<64x256xf32, #tpu.memory_space<hbm>>
      tpu.wait_dma2 semaphore(%arg8 : memref<!tpu.dma_semaphore, #tpu.memory_space<semaphore_mem>>) src(%dma_wait3A_134 : memref<64x256xf32, #tpu.memory_space<hbm>>) dst(%arg5 : memref<64x256xf32, #tpu.memory_space<vmem>>)
      %scan3A_135 = arith.constant 0 : i32
      %scan3A_136 = arith.constant 64 : i32
      %scan3A_137 = arith.addi %scan3A_135, %scan3A_136 : i32
      %scan3A_138 = arith.constant 1 : i32
      %scan3A_139:16 = scf.for %scan3A_276 = %scan3A_135 to %scan3A_137 step %scan3A_138 iter_args(%scan3A_277 = %scan3A_121#0, %scan3A_278 = %scan3A_121#1, %scan3A_279 = %scan3A_121#2, %scan3A_280 = %scan3A_121#3, %scan3A_281 = %scan3A_121#4, %scan3A_282 = %scan3A_121#5, %scan3A_283 = %scan3A_121#6, %scan3A_284 = %scan3A_121#7, %scan3A_285 = %scan3A_121#8, %scan3A_286 = %scan3A_121#9, %scan3A_287 = %scan3A_121#10, %scan3A_288 = %scan3A_121#11, %scan3A_289 = %scan3A_121#12, %scan3A_290 = %scan3A_121#13, %scan3A_291 = %scan3A_121#14, %scan3A_292 = %scan3A_121#15) -> (vector<16xf32>, vector<16xf32>, vector<16xf32>, vector<16xf32>, vector<16xf32>, vector<16xf32>, vector<16xf32>, vector<16xf32>, vector<16xf32>, vector<16xf32>, vector<16xf32>, vector<16xf32>, vector<16xf32>, vector<16xf32>, vector<16xf32>, vector<16xf32>)  : i32 {
        %get3A = arith.index_cast %scan3A_276 : i32 to index
        %get3A_293 = arith.constant 0 : index
        %get3A_294 = tpu.vector_load %arg5[%get3A, %get3A_293] {strides = array<i32>} : memref<64x256xf32, #tpu.memory_space<vmem>>, vector<1x16xf32>,
        %get3A_295 = vector.shape_cast %get3A_294 : vector<1x16xf32> to vector<16xf32>
        %add3A_296 = arith.addf %scan3A_277, %get3A_295 : vector<16xf32>
        %get3A_297 = arith.index_cast %scan3A_276 : i32 to index
        %get3A_298 = arith.constant 16 : index
        %get3A_299 = tpu.vector_load %arg5[%get3A_297, %get3A_298] {strides = array<i32>} : memref<64x256xf32, #tpu.memory_space<vmem>>, vector<1x16xf32>,
        %get3A_300 = vector.shape_cast %get3A_299 : vector<1x16xf32> to vector<16xf32>
        %add3A_301 = arith.addf %scan3A_278, %get3A_300 : vector<16xf32>
        %get3A_302 = arith.index_cast %scan3A_276 : i32 to index
        %get3A_303 = arith.constant 32 : index
        %get3A_304 = tpu.vector_load %arg5[%get3A_302, %get3A_303] {strides = array<i32>} : memref<64x256xf32, #tpu.memory_space<vmem>>, vector<1x16xf32>,
        %get3A_305 = vector.shape_cast %get3A_304 : vector<1x16xf32> to vector<16xf32>
        %add3A_306 = arith.addf %scan3A_279, %get3A_305 : vector<16xf32>
        %get3A_307 = arith.index_cast %scan3A_276 : i32 to index
        %get3A_308 = arith.constant 48 : index
        %get3A_309 = tpu.vector_load %arg5[%get3A_307, %get3A_308] {strides = array<i32>} : memref<64x256xf32, #tpu.memory_space<vmem>>, vector<1x16xf32>,
        %get3A_310 = vector.shape_cast %get3A_309 : vector<1x16xf32> to vector<16xf32>
        %add3A_311 = arith.addf %scan3A_280, %get3A_310 : vector<16xf32>
        %get3A_312 = arith.index_cast %scan3A_276 : i32 to index
        %get3A_313 = arith.constant 64 : index
        %get3A_314 = tpu.vector_load %arg5[%get3A_312, %get3A_313] {strides = array<i32>} : memref<64x256xf32, #tpu.memory_space<vmem>>, vector<1x16xf32>,
        %get3A_315 = vector.shape_cast %get3A_314 : vector<1x16xf32> to vector<16xf32>
        %add3A_316 = arith.addf %scan3A_281, %get3A_315 : vector<16xf32>
        %get3A_317 = arith.index_cast %scan3A_276 : i32 to index
        %get3A_318 = arith.constant 80 : index
        %get3A_319 = tpu.vector_load %arg5[%get3A_317, %get3A_318] {strides = array<i32>} : memref<64x256xf32, #tpu.memory_space<vmem>>, vector<1x16xf32>,
        %get3A_320 = vector.shape_cast %get3A_319 : vector<1x16xf32> to vector<16xf32>
        %add3A_321 = arith.addf %scan3A_282, %get3A_320 : vector<16xf32>
        %get3A_322 = arith.index_cast %scan3A_276 : i32 to index
        %get3A_323 = arith.constant 96 : index
        %get3A_324 = tpu.vector_load %arg5[%get3A_322, %get3A_323] {strides = array<i32>} : memref<64x256xf32, #tpu.memory_space<vmem>>, vector<1x16xf32>,
        %get3A_325 = vector.shape_cast %get3A_324 : vector<1x16xf32> to vector<16xf32>
        %add3A_326 = arith.addf %scan3A_283, %get3A_325 : vector<16xf32>
        %get3A_327 = arith.index_cast %scan3A_276 : i32 to index
        %get3A_328 = arith.constant 112 : index
        %get3A_329 = tpu.vector_load %arg5[%get3A_327, %get3A_328] {strides = array<i32>} : memref<64x256xf32, #tpu.memory_space<vmem>>, vector<1x16xf32>,
        %get3A_330 = vector.shape_cast %get3A_329 : vector<1x16xf32> to vector<16xf32>
        %add3A_331 = arith.addf %scan3A_284, %get3A_330 : vector<16xf32>
        %get3A_332 = arith.index_cast %scan3A_276 : i32 to index
        %get3A_333 = arith.constant 128 : index
        %get3A_334 = tpu.vector_load %arg5[%get3A_332, %get3A_333] {strides = array<i32>} : memref<64x256xf32, #tpu.memory_space<vmem>>, vector<1x16xf32>,
        %get3A_335 = vector.shape_cast %get3A_334 : vector<1x16xf32> to vector<16xf32>
        %add3A_336 = arith.addf %scan3A_285, %get3A_335 : vector<16xf32>
        %get3A_337 = arith.index_cast %scan3A_276 : i32 to index
        %get3A_338 = arith.constant 144 : index
        %get3A_339 = tpu.vector_load %arg5[%get3A_337, %get3A_338] {strides = array<i32>} : memref<64x256xf32, #tpu.memory_space<vmem>>, vector<1x16xf32>,
        %get3A_340 = vector.shape_cast %get3A_339 : vector<1x16xf32> to vector<16xf32>
        %add3A_341 = arith.addf %scan3A_286, %get3A_340 : vector<16xf32>
        %get3A_342 = arith.index_cast %scan3A_276 : i32 to index
        %get3A_343 = arith.constant 160 : index
        %get3A_344 = tpu.vector_load %arg5[%get3A_342, %get3A_343] {strides = array<i32>} : memref<64x256xf32, #tpu.memory_space<vmem>>, vector<1x16xf32>,
        %get3A_345 = vector.shape_cast %get3A_344 : vector<1x16xf32> to vector<16xf32>
        %add3A_346 = arith.addf %scan3A_287, %get3A_345 : vector<16xf32>
        %get3A_347 = arith.index_cast %scan3A_276 : i32 to index
        %get3A_348 = arith.constant 176 : index
        %get3A_349 = tpu.vector_load %arg5[%get3A_347, %get3A_348] {strides = array<i32>} : memref<64x256xf32, #tpu.memory_space<vmem>>, vector<1x16xf32>,
        %get3A_350 = vector.shape_cast %get3A_349 : vector<1x16xf32> to vector<16xf32>
        %add3A_351 = arith.addf %scan3A_288, %get3A_350 : vector<16xf32>
        %get3A_352 = arith.index_cast %scan3A_276 : i32 to index
        %get3A_353 = arith.constant 192 : index
        %get3A_354 = tpu.vector_load %arg5[%get3A_352, %get3A_353] {strides = array<i32>} : memref<64x256xf32, #tpu.memory_space<vmem>>, vector<1x16xf32>,
        %get3A_355 = vector.shape_cast %get3A_354 : vector<1x16xf32> to vector<16xf32>
        %add3A_356 = arith.addf %scan3A_289, %get3A_355 : vector<16xf32>
        %get3A_357 = arith.index_cast %scan3A_276 : i32 to index
        %get3A_358 = arith.constant 208 : index
        %get3A_359 = tpu.vector_load %arg5[%get3A_357, %get3A_358] {strides = array<i32>} : memref<64x256xf32, #tpu.memory_space<vmem>>, vector<1x16xf32>,
        %get3A_360 = vector.shape_cast %get3A_359 : vector<1x16xf32> to vector<16xf32>
        %add3A_361 = arith.addf %scan3A_290, %get3A_360 : vector<16xf32>
        %get3A_362 = arith.index_cast %scan3A_276 : i32 to index
        %get3A_363 = arith.constant 224 : index
        %get3A_364 = tpu.vector_load %arg5[%get3A_362, %get3A_363] {strides = array<i32>} : memref<64x256xf32, #tpu.memory_space<vmem>>, vector<1x16xf32>,
        %get3A_365 = vector.shape_cast %get3A_364 : vector<1x16xf32> to vector<16xf32>
        %add3A_366 = arith.addf %scan3A_291, %get3A_365 : vector<16xf32>
        %get3A_367 = arith.index_cast %scan3A_276 : i32 to index
        %get3A_368 = arith.constant 240 : index
        %get3A_369 = tpu.vector_load %arg5[%get3A_367, %get3A_368] {strides = array<i32>} : memref<64x256xf32, #tpu.memory_space<vmem>>, vector<1x16xf32>,
        %get3A_370 = vector.shape_cast %get3A_369 : vector<1x16xf32> to vector<16xf32>
        %add3A_371 = arith.addf %scan3A_292, %get3A_370 : vector<16xf32>
        scf.yield %add3A_296, %add3A_301, %add3A_306, %add3A_311, %add3A_316, %add3A_321, %add3A_326, %add3A_331, %add3A_336, %add3A_341, %add3A_346, %add3A_351, %add3A_356, %add3A_361, %add3A_366, %add3A_371 : vector<16xf32>, vector<16xf32>, vector<16xf32>, vector<16xf32>, vector<16xf32>, vector<16xf32>, vector<16xf32>, vector<16xf32>, vector<16xf32>, vector<16xf32>, vector<16xf32>, vector<16xf32>, vector<16xf32>, vector<16xf32>, vector<16xf32>, vector<16xf32>
      }
      %scan3A_140 = arith.constant 64 : i32
      %mul3A_141 = arith.constant 128 : i32
      %mul3A_142 = arith.muli %min3A, %mul3A_141 : i32
      %add3A_143 = arith.constant 64 : i32
      %add3A_144 = arith.addi %mul3A_142, %add3A_143 : i32
      %dma_start3A_145 = arith.constant 0 : i32
      %dma_start3A_146 = tpu.memref_slice %arg2[%add3A_144, %dma_start3A_145] : memref<131072x256xf32, #tpu.memory_space<hbm>> -> memref<64x256xf32, #tpu.memory_space<hbm>>
      %dma_start3A_147 = arith.constant 0 : i32
      %dma_start3A_148 = tpu.memref_slice %arg2[%add3A_144, %dma_start3A_147] : memref<131072x256xf32, #tpu.memory_space<hbm>> -> memref<64x256xf32, #tpu.memory_space<hbm>>
      tpu.enqueue_dma source(%dma_start3A_148 : memref<64x256xf32, #tpu.memory_space<hbm>>) target(%arg5 : memref<64x256xf32, #tpu.memory_space<vmem>>) target_semaphore(%arg8 : memref<!tpu.dma_semaphore, #tpu.memory_space<semaphore_mem>>)
      %mul3A_149 = arith.constant 6.250000e-03 : f32
      %mul3A_150 = vector.broadcast %mul3A_149 : f32 to vector<16xf32>
      %mul3A_151 = arith.mulf %scan3A_139#0, %mul3A_150 : vector<16xf32>
      %swap3A = arith.index_cast %scan3A_63 : i32 to index
      %swap3A_152 = arith.constant 0 : index
      %swap3A_153 = tpu.vector_load %arg6[%swap3A, %swap3A_152] {strides = array<i32>} : memref<8x256xf32, #tpu.memory_space<vmem>>, vector<1x16xf32>,
      %swap3A_154 = vector.shape_cast %swap3A_153 : vector<1x16xf32> to vector<16xf32>
      %swap3A_155 = vector.shape_cast %mul3A_151 : vector<16xf32> to vector<1x16xf32>
      tpu.vector_store %arg6[%swap3A, %swap3A_152], %swap3A_155 {strides = array<i32>} : memref<8x256xf32, #tpu.memory_space<vmem>>, vector<1x16xf32>,
      %mul3A_156 = arith.constant 6.250000e-03 : f32
      %mul3A_157 = vector.broadcast %mul3A_156 : f32 to vector<16xf32>
      %mul3A_158 = arith.mulf %scan3A_139#1, %mul3A_157 : vector<16xf32>
      %swap3A_159 = arith.index_cast %scan3A_63 : i32 to index
      %swap3A_160 = arith.constant 16 : index
      %swap3A_161 = tpu.vector_load %arg6[%swap3A_159, %swap3A_160] {strides = array<i32>} : memref<8x256xf32, #tpu.memory_space<vmem>>, vector<1x16xf32>,
      %swap3A_162 = vector.shape_cast %swap3A_161 : vector<1x16xf32> to vector<16xf32>
      %swap3A_163 = vector.shape_cast %mul3A_158 : vector<16xf32> to vector<1x16xf32>
      tpu.vector_store %arg6[%swap3A_159, %swap3A_160], %swap3A_163 {strides = array<i32>} : memref<8x256xf32, #tpu.memory_space<vmem>>, vector<1x16xf32>,
      %mul3A_164 = arith.constant 6.250000e-03 : f32
      %mul3A_165 = vector.broadcast %mul3A_164 : f32 to vector<16xf32>
      %mul3A_166 = arith.mulf %scan3A_139#2, %mul3A_165 : vector<16xf32>
      %swap3A_167 = arith.index_cast %scan3A_63 : i32 to index
      %swap3A_168 = arith.constant 32 : index
      %swap3A_169 = tpu.vector_load %arg6[%swap3A_167, %swap3A_168] {strides = array<i32>} : memref<8x256xf32, #tpu.memory_space<vmem>>, vector<1x16xf32>,
      %swap3A_170 = vector.shape_cast %swap3A_169 : vector<1x16xf32> to vector<16xf32>
      %swap3A_171 = vector.shape_cast %mul3A_166 : vector<16xf32> to vector<1x16xf32>
      tpu.vector_store %arg6[%swap3A_167, %swap3A_168], %swap3A_171 {strides = array<i32>} : memref<8x256xf32, #tpu.memory_space<vmem>>, vector<1x16xf32>,
      %mul3A_172 = arith.constant 6.250000e-03 : f32
      %mul3A_173 = vector.broadcast %mul3A_172 : f32 to vector<16xf32>
      %mul3A_174 = arith.mulf %scan3A_139#3, %mul3A_173 : vector<16xf32>
      %swap3A_175 = arith.index_cast %scan3A_63 : i32 to index
      %swap3A_176 = arith.constant 48 : index
      %swap3A_177 = tpu.vector_load %arg6[%swap3A_175, %swap3A_176] {strides = array<i32>} : memref<8x256xf32, #tpu.memory_space<vmem>>, vector<1x16xf32>,
      %swap3A_178 = vector.shape_cast %swap3A_177 : vector<1x16xf32> to vector<16xf32>
      %swap3A_179 = vector.shape_cast %mul3A_174 : vector<16xf32> to vector<1x16xf32>
      tpu.vector_store %arg6[%swap3A_175, %swap3A_176], %swap3A_179 {strides = array<i32>} : memref<8x256xf32, #tpu.memory_space<vmem>>, vector<1x16xf32>,
      %mul3A_180 = arith.constant 6.250000e-03 : f32
      %mul3A_181 = vector.broadcast %mul3A_180 : f32 to vector<16xf32>
      %mul3A_182 = arith.mulf %scan3A_139#4, %mul3A_181 : vector<16xf32>
      %swap3A_183 = arith.index_cast %scan3A_63 : i32 to index
      %swap3A_184 = arith.constant 64 : index
      %swap3A_185 = tpu.vector_load %arg6[%swap3A_183, %swap3A_184] {strides = array<i32>} : memref<8x256xf32, #tpu.memory_space<vmem>>, vector<1x16xf32>,
      %swap3A_186 = vector.shape_cast %swap3A_185 : vector<1x16xf32> to vector<16xf32>
      %swap3A_187 = vector.shape_cast %mul3A_182 : vector<16xf32> to vector<1x16xf32>
      tpu.vector_store %arg6[%swap3A_183, %swap3A_184], %swap3A_187 {strides = array<i32>} : memref<8x256xf32, #tpu.memory_space<vmem>>, vector<1x16xf32>,
      %mul3A_188 = arith.constant 6.250000e-03 : f32
      %mul3A_189 = vector.broadcast %mul3A_188 : f32 to vector<16xf32>
      %mul3A_190 = arith.mulf %scan3A_139#5, %mul3A_189 : vector<16xf32>
      %swap3A_191 = arith.index_cast %scan3A_63 : i32 to index
      %swap3A_192 = arith.constant 80 : index
      %swap3A_193 = tpu.vector_load %arg6[%swap3A_191, %swap3A_192] {strides = array<i32>} : memref<8x256xf32, #tpu.memory_space<vmem>>, vector<1x16xf32>,
      %swap3A_194 = vector.shape_cast %swap3A_193 : vector<1x16xf32> to vector<16xf32>
      %swap3A_195 = vector.shape_cast %mul3A_190 : vector<16xf32> to vector<1x16xf32>
      tpu.vector_store %arg6[%swap3A_191, %swap3A_192], %swap3A_195 {strides = array<i32>} : memref<8x256xf32, #tpu.memory_space<vmem>>, vector<1x16xf32>,
      %mul3A_196 = arith.constant 6.250000e-03 : f32
      %mul3A_197 = vector.broadcast %mul3A_196 : f32 to vector<16xf32>
      %mul3A_198 = arith.mulf %scan3A_139#6, %mul3A_197 : vector<16xf32>
      %swap3A_199 = arith.index_cast %scan3A_63 : i32 to index
      %swap3A_200 = arith.constant 96 : index
      %swap3A_201 = tpu.vector_load %arg6[%swap3A_199, %swap3A_200] {strides = array<i32>} : memref<8x256xf32, #tpu.memory_space<vmem>>, vector<1x16xf32>,
      %swap3A_202 = vector.shape_cast %swap3A_201 : vector<1x16xf32> to vector<16xf32>
      %swap3A_203 = vector.shape_cast %mul3A_198 : vector<16xf32> to vector<1x16xf32>
      tpu.vector_store %arg6[%swap3A_199, %swap3A_200], %swap3A_203 {strides = array<i32>} : memref<8x256xf32, #tpu.memory_space<vmem>>, vector<1x16xf32>,
      %mul3A_204 = arith.constant 6.250000e-03 : f32
      %mul3A_205 = vector.broadcast %mul3A_204 : f32 to vector<16xf32>
      %mul3A_206 = arith.mulf %scan3A_139#7, %mul3A_205 : vector<16xf32>
      %swap3A_207 = arith.index_cast %scan3A_63 : i32 to index
      %swap3A_208 = arith.constant 112 : index
      %swap3A_209 = tpu.vector_load %arg6[%swap3A_207, %swap3A_208] {strides = array<i32>} : memref<8x256xf32, #tpu.memory_space<vmem>>, vector<1x16xf32>,
      %swap3A_210 = vector.shape_cast %swap3A_209 : vector<1x16xf32> to vector<16xf32>
      %swap3A_211 = vector.shape_cast %mul3A_206 : vector<16xf32> to vector<1x16xf32>
      tpu.vector_store %arg6[%swap3A_207, %swap3A_208], %swap3A_211 {strides = array<i32>} : memref<8x256xf32, #tpu.memory_space<vmem>>, vector<1x16xf32>,
      %mul3A_212 = arith.constant 6.250000e-03 : f32
      %mul3A_213 = vector.broadcast %mul3A_212 : f32 to vector<16xf32>
      %mul3A_214 = arith.mulf %scan3A_139#8, %mul3A_213 : vector<16xf32>
      %swap3A_215 = arith.index_cast %scan3A_63 : i32 to index
      %swap3A_216 = arith.constant 128 : index
      %swap3A_217 = tpu.vector_load %arg6[%swap3A_215, %swap3A_216] {strides = array<i32>} : memref<8x256xf32, #tpu.memory_space<vmem>>, vector<1x16xf32>,
      %swap3A_218 = vector.shape_cast %swap3A_217 : vector<1x16xf32> to vector<16xf32>
      %swap3A_219 = vector.shape_cast %mul3A_214 : vector<16xf32> to vector<1x16xf32>
      tpu.vector_store %arg6[%swap3A_215, %swap3A_216], %swap3A_219 {strides = array<i32>} : memref<8x256xf32, #tpu.memory_space<vmem>>, vector<1x16xf32>,
      %mul3A_220 = arith.constant 6.250000e-03 : f32
      %mul3A_221 = vector.broadcast %mul3A_220 : f32 to vector<16xf32>
      %mul3A_222 = arith.mulf %scan3A_139#9, %mul3A_221 : vector<16xf32>
      %swap3A_223 = arith.index_cast %scan3A_63 : i32 to index
      %swap3A_224 = arith.constant 144 : index
      %swap3A_225 = tpu.vector_load %arg6[%swap3A_223, %swap3A_224] {strides = array<i32>} : memref<8x256xf32, #tpu.memory_space<vmem>>, vector<1x16xf32>,
      %swap3A_226 = vector.shape_cast %swap3A_225 : vector<1x16xf32> to vector<16xf32>
      %swap3A_227 = vector.shape_cast %mul3A_222 : vector<16xf32> to vector<1x16xf32>
      tpu.vector_store %arg6[%swap3A_223, %swap3A_224], %swap3A_227 {strides = array<i32>} : memref<8x256xf32, #tpu.memory_space<vmem>>, vector<1x16xf32>,
      %mul3A_228 = arith.constant 6.250000e-03 : f32
      %mul3A_229 = vector.broadcast %mul3A_228 : f32 to vector<16xf32>
      %mul3A_230 = arith.mulf %scan3A_139#10, %mul3A_229 : vector<16xf32>
      %swap3A_231 = arith.index_cast %scan3A_63 : i32 to index
      %swap3A_232 = arith.constant 160 : index
      %swap3A_233 = tpu.vector_load %arg6[%swap3A_231, %swap3A_232] {strides = array<i32>} : memref<8x256xf32, #tpu.memory_space<vmem>>, vector<1x16xf32>,
      %swap3A_234 = vector.shape_cast %swap3A_233 : vector<1x16xf32> to vector<16xf32>
      %swap3A_235 = vector.shape_cast %mul3A_230 : vector<16xf32> to vector<1x16xf32>
      tpu.vector_store %arg6[%swap3A_231, %swap3A_232], %swap3A_235 {strides = array<i32>} : memref<8x256xf32, #tpu.memory_space<vmem>>, vector<1x16xf32>,
      %mul3A_236 = arith.constant 6.250000e-03 : f32
      %mul3A_237 = vector.broadcast %mul3A_236 : f32 to vector<16xf32>
      %mul3A_238 = arith.mulf %scan3A_139#11, %mul3A_237 : vector<16xf32>
      %swap3A_239 = arith.index_cast %scan3A_63 : i32 to index
      %swap3A_240 = arith.constant 176 : index
      %swap3A_241 = tpu.vector_load %arg6[%swap3A_239, %swap3A_240] {strides = array<i32>} : memref<8x256xf32, #tpu.memory_space<vmem>>, vector<1x16xf32>,
      %swap3A_242 = vector.shape_cast %swap3A_241 : vector<1x16xf32> to vector<16xf32>
      %swap3A_243 = vector.shape_cast %mul3A_238 : vector<16xf32> to vector<1x16xf32>
      tpu.vector_store %arg6[%swap3A_239, %swap3A_240], %swap3A_243 {strides = array<i32>} : memref<8x256xf32, #tpu.memory_space<vmem>>, vector<1x16xf32>,
      %mul3A_244 = arith.constant 6.250000e-03 : f32
      %mul3A_245 = vector.broadcast %mul3A_244 : f32 to vector<16xf32>
      %mul3A_246 = arith.mulf %scan3A_139#12, %mul3A_245 : vector<16xf32>
      %swap3A_247 = arith.index_cast %scan3A_63 : i32 to index
      %swap3A_248 = arith.constant 192 : index
      %swap3A_249 = tpu.vector_load %arg6[%swap3A_247, %swap3A_248] {strides = array<i32>} : memref<8x256xf32, #tpu.memory_space<vmem>>, vector<1x16xf32>,
      %swap3A_250 = vector.shape_cast %swap3A_249 : vector<1x16xf32> to vector<16xf32>
      %swap3A_251 = vector.shape_cast %mul3A_246 : vector<16xf32> to vector<1x16xf32>
      tpu.vector_store %arg6[%swap3A_247, %swap3A_248], %swap3A_251 {strides = array<i32>} : memref<8x256xf32, #tpu.memory_space<vmem>>, vector<1x16xf32>,
      %mul3A_252 = arith.constant 6.250000e-03 : f32
      %mul3A_253 = vector.broadcast %mul3A_252 : f32 to vector<16xf32>
      %mul3A_254 = arith.mulf %scan3A_139#13, %mul3A_253 : vector<16xf32>
      %swap3A_255 = arith.index_cast %scan3A_63 : i32 to index
      %swap3A_256 = arith.constant 208 : index
      %swap3A_257 = tpu.vector_load %arg6[%swap3A_255, %swap3A_256] {strides = array<i32>} : memref<8x256xf32, #tpu.memory_space<vmem>>, vector<1x16xf32>,
      %swap3A_258 = vector.shape_cast %swap3A_257 : vector<1x16xf32> to vector<16xf32>
      %swap3A_259 = vector.shape_cast %mul3A_254 : vector<16xf32> to vector<1x16xf32>
      tpu.vector_store %arg6[%swap3A_255, %swap3A_256], %swap3A_259 {strides = array<i32>} : memref<8x256xf32, #tpu.memory_space<vmem>>, vector<1x16xf32>,
      %mul3A_260 = arith.constant 6.250000e-03 : f32
      %mul3A_261 = vector.broadcast %mul3A_260 : f32 to vector<16xf32>
      %mul3A_262 = arith.mulf %scan3A_139#14, %mul3A_261 : vector<16xf32>
      %swap3A_263 = arith.index_cast %scan3A_63 : i32 to index
      %swap3A_264 = arith.constant 224 : index
      %swap3A_265 = tpu.vector_load %arg6[%swap3A_263, %swap3A_264] {strides = array<i32>} : memref<8x256xf32, #tpu.memory_space<vmem>>, vector<1x16xf32>,
      %swap3A_266 = vector.shape_cast %swap3A_265 : vector<1x16xf32> to vector<16xf32>
      %swap3A_267 = vector.shape_cast %mul3A_262 : vector<16xf32> to vector<1x16xf32>
      tpu.vector_store %arg6[%swap3A_263, %swap3A_264], %swap3A_267 {strides = array<i32>} : memref<8x256xf32, #tpu.memory_space<vmem>>, vector<1x16xf32>,
      %mul3A_268 = arith.constant 6.250000e-03 : f32
      %mul3A_269 = vector.broadcast %mul3A_268 : f32 to vector<16xf32>
      %mul3A_270 = arith.mulf %scan3A_139#15, %mul3A_269 : vector<16xf32>
      %swap3A_271 = arith.index_cast %scan3A_63 : i32 to index
      %swap3A_272 = arith.constant 240 : index
      %swap3A_273 = tpu.vector_load %arg6[%swap3A_271, %swap3A_272] {strides = array<i32>} : memref<8x256xf32, #tpu.memory_space<vmem>>, vector<1x16xf32>,
      %swap3A_274 = vector.shape_cast %swap3A_273 : vector<1x16xf32> to vector<16xf32>
      %swap3A_275 = vector.shape_cast %mul3A_270 : vector<16xf32> to vector<1x16xf32>
      tpu.vector_store %arg6[%swap3A_271, %swap3A_272], %swap3A_275 {strides = array<i32>} : memref<8x256xf32, #tpu.memory_space<vmem>>, vector<1x16xf32>,
    }
    %scan3A_51 = arith.constant 8 : i32
    %dma_wait3A = arith.constant 0 : i32
    %dma_wait3A_52 = arith.constant 0 : i32
    %dma_wait3A_53 = tpu.memref_slice %arg2[%dma_wait3A, %dma_wait3A_52] : memref<131072x256xf32, #tpu.memory_space<hbm>> -> memref<64x256xf32, #tpu.memory_space<hbm>>
    %dma_wait3A_54 = arith.constant 0 : i32
    %dma_wait3A_55 = arith.constant 0 : i32
    %dma_wait3A_56 = tpu.memref_slice %arg2[%dma_wait3A_54, %dma_wait3A_55] : memref<131072x256xf32, #tpu.memory_space<hbm>> -> memref<64x256xf32, #tpu.memory_space<hbm>>
    tpu.wait_dma2 semaphore(%arg7 : memref<!tpu.dma_semaphore, #tpu.memory_space<semaphore_mem>>) src(%dma_wait3A_56 : memref<64x256xf32, #tpu.memory_space<hbm>>) dst(%arg4 : memref<64x256xf32, #tpu.memory_space<vmem>>)
    %dma_wait3A_57 = arith.constant 0 : i32
    %dma_wait3A_58 = arith.constant 0 : i32
    %dma_wait3A_59 = tpu.memref_slice %arg2[%dma_wait3A_57, %dma_wait3A_58] : memref<131072x256xf32, #tpu.memory_space<hbm>> -> memref<64x256xf32, #tpu.memory_space<hbm>>
    %dma_wait3A_60 = arith.constant 0 : i32
    %dma_wait3A_61 = arith.constant 0 : i32
    %dma_wait3A_62 = tpu.memref_slice %arg2[%dma_wait3A_60, %dma_wait3A_61] : memref<131072x256xf32, #tpu.memory_space<hbm>> -> memref<64x256xf32, #tpu.memory_space<hbm>>
    tpu.wait_dma2 semaphore(%arg8 : memref<!tpu.dma_semaphore, #tpu.memory_space<semaphore_mem>>) src(%dma_wait3A_62 : memref<64x256xf32, #tpu.memory_space<hbm>>) dst(%arg5 : memref<64x256xf32, #tpu.memory_space<vmem>>)
    "tpu.region"() ({
      %run_scoped3A = tpu.sem_alloc : memref<!tpu.dma_semaphore, #tpu.memory_space<semaphore_mem>>
      %dma_start3A_63 = arith.constant 0 : i32
      %dma_start3A_64 = tpu.memref_slice %arg3[%mul3A_2, %dma_start3A_63] : memref<256x256xf32, #tpu.memory_space<hbm>> -> memref<8x256xf32, #tpu.memory_space<hbm>>
      %dma_start3A_65 = arith.constant 0 : i32
      %dma_start3A_66 = tpu.memref_slice %arg3[%mul3A_2, %dma_start3A_65] : memref<256x256xf32, #tpu.memory_space<hbm>> -> memref<8x256xf32, #tpu.memory_space<hbm>>
      tpu.enqueue_dma source(%arg6 : memref<8x256xf32, #tpu.memory_space<vmem>>) target(%dma_start3A_66 : memref<8x256xf32, #tpu.memory_space<hbm>>) target_semaphore(%run_scoped3A : memref<!tpu.dma_semaphore, #tpu.memory_space<semaphore_mem>>)
      %dma_wait3A_67 = arith.constant 0 : i32
      %dma_wait3A_68 = tpu.memref_slice %arg3[%mul3A_2, %dma_wait3A_67] : memref<256x256xf32, #tpu.memory_space<hbm>> -> memref<8x256xf32, #tpu.memory_space<hbm>>
      %dma_wait3A_69 = arith.constant 0 : i32
      %dma_wait3A_70 = tpu.memref_slice %arg3[%mul3A_2, %dma_wait3A_69] : memref<256x256xf32, #tpu.memory_space<hbm>> -> memref<8x256xf32, #tpu.memory_space<hbm>>
      tpu.wait_dma2 semaphore(%run_scoped3A : memref<!tpu.dma_semaphore, #tpu.memory_space<semaphore_mem>>) src(%arg6 : memref<8x256xf32, #tpu.memory_space<vmem>>) dst(%dma_wait3A_70 : memref<8x256xf32, #tpu.memory_space<hbm>>)
      tpu.yield
    }) : () -> ()
    return
  }
}

module attributes {stable_mosaic.version = 14 : i64} {
  func.func @_atom_body(%arg0: i32, %arg1: memref<4096x256xf32, #tpu.memory_space<vmem>>, %arg2: memref<4096x256xf32, #tpu.memory_space<vmem>>, %arg3: memref<64x256xf32, #tpu.memory_space<vmem>>) attributes {dimension_semantics = [#tpu.dimension_semantics<arbitrary>], iteration_bounds = array<i64: 8>, scalar_prefetch = 0 : i64, scratch_operands = 0 : i64, tpu.core_type = #tpu.core_type<tc>, window_params = [{transform_indices = @transform_0, window_bounds = array<i64: 4096, 256>}, {transform_indices = @transform_1, window_bounds = array<i64: 4096, 256>}, {transform_indices = @transform_2, window_bounds = array<i64: 64, 256>}]} {
    %get3A = arith.constant 0 : index
    %get3A_0 = arith.constant 0 : index
    %get3A_1 = vector.load %arg1[%get3A, %get3A_0] : memref<4096x256xf32, #tpu.memory_space<vmem>>, vector<4096x256xf32>
    %reshape3A = vector.shape_cast %get3A_1 : vector<4096x256xf32> to vector<64x64x256xf32>
    %get3A_2 = arith.constant 0 : index
    %get3A_3 = arith.constant 0 : index
    %get3A_4 = vector.load %arg2[%get3A_2, %get3A_3] : memref<4096x256xf32, #tpu.memory_space<vmem>>, vector<4096x256xf32>
    %reshape3A_5 = vector.shape_cast %get3A_4 : vector<4096x256xf32> to vector<64x64x256xf32>
    %reduce_sum3A = arith.constant dense<0.000000e+00> : vector<64x256xf32>
    %reduce_sum3A_6 = vector.multi_reduction <add>, %reshape3A_5, %reduce_sum3A [1] : vector<64x64x256xf32> to vector<64x256xf32>
    %reduce_sum3A_7 = arith.constant dense<0.000000e+00> : vector<64x256xf32>
    %reduce_sum3A_8 = vector.multi_reduction <add>, %reshape3A, %reduce_sum3A_7 [1] : vector<64x64x256xf32> to vector<64x256xf32>
    %sub3A = arith.subf %reduce_sum3A_6, %reduce_sum3A_8 : vector<64x256xf32>
    %mul3A = arith.constant 1.562500e-02 : f32
    %mul3A_9 = vector.broadcast %mul3A : f32 to vector<64x256xf32>
    %mul3A_10 = arith.mulf %sub3A, %mul3A_9 : vector<64x256xf32>
    %swap3A = arith.constant 0 : index
    %swap3A_11 = arith.constant 0 : index
    %swap3A_12 = vector.load %arg3[%swap3A, %swap3A_11] : memref<64x256xf32, #tpu.memory_space<vmem>>, vector<64x256xf32>
    tpu.vector_store %arg3[%swap3A, %swap3A_11], %mul3A_10 {strides = array<i32>} : memref<64x256xf32, #tpu.memory_space<vmem>>, vector<64x256xf32>,
    return
  }
  func.func @transform_0(%arg0: i32) -> (i32, i32) {
    %c0_i32 = arith.constant 0 : i32
    %c0_i32_0 = arith.constant 0 : i32
    return %arg0, %c0_i32 : i32, i32
  }
  func.func @transform_1(%arg0: i32) -> (i32, i32) {
    %add3A = arith.constant 8 : i32
    %add3A_0 = arith.addi %arg0, %add3A : i32
    %c0_i32 = arith.constant 0 : i32
    %c0_i32_1 = arith.constant 0 : i32
    return %add3A_0, %c0_i32 : i32, i32
  }
  func.func @transform_2(%arg0: i32) -> (i32, i32) {
    %c0_i32 = arith.constant 0 : i32
    %c0_i32_0 = arith.constant 0 : i32
    return %arg0, %c0_i32 : i32, i32
  }
}

module attributes {stable_mosaic.version = 14 : i64} {
  func.func @_mm_body(%arg0: memref<512x256xf32, #tpu.memory_space<vmem>>, %arg1: memref<256x256xf32, #tpu.memory_space<vmem>>, %arg2: memref<256x256xf32, #tpu.memory_space<vmem>>, %arg3: memref<1536x256xf32, #tpu.memory_space<vmem>>, %arg4: memref<768x512xf32, #tpu.memory_space<vmem>>, %arg5: memref<1xf32, #tpu.memory_space<smem>>, %arg6: memref<512x512xf32, #tpu.memory_space<vmem>>) attributes {dimension_semantics = [], scalar_prefetch = 0 : i64, scratch_operands = 0 : i64, tpu.core_type = #tpu.core_type<tc>} {
    %get3A = arith.constant 0 : index
    %get3A_0 = arith.constant 0 : index
    %get3A_1 = vector.load %arg3[%get3A, %get3A_0] : memref<1536x256xf32, #tpu.memory_space<vmem>>, vector<1024x256xf32>
    %reshape3A = vector.shape_cast %get3A_1 : vector<1024x256xf32> to vector<512x2x256xf32>
    %get3A_2 = arith.constant 1024 : index
    %get3A_3 = arith.constant 0 : index
    %get3A_4 = vector.load %arg3[%get3A_2, %get3A_3] : memref<1536x256xf32, #tpu.memory_space<vmem>>, vector<512x256xf32>
    %slice3A = vector.extract_strided_slice %reshape3A {offsets = [0, 0, 0], sizes = [512, 1, 256], strides = [1, 1, 1]} : vector<512x2x256xf32> to vector<512x1x256xf32>
    %squeeze3A = vector.shape_cast %slice3A : vector<512x1x256xf32> to vector<512x256xf32>
    %sub3A = arith.subf %get3A_4, %squeeze3A : vector<512x256xf32>
    %slice3A_5 = vector.extract_strided_slice %reshape3A {offsets = [0, 1, 0], sizes = [512, 1, 256], strides = [1, 1, 1]} : vector<512x2x256xf32> to vector<512x1x256xf32>
    %squeeze3A_6 = vector.shape_cast %slice3A_5 : vector<512x1x256xf32> to vector<512x256xf32>
    %sub3A_7 = arith.subf %sub3A, %squeeze3A_6 : vector<512x256xf32>
    %get3A_8 = arith.constant 0 : index
    %get3A_9 = arith.constant 0 : index
    %get3A_10 = vector.load %arg0[%get3A_8, %get3A_9] : memref<512x256xf32, #tpu.memory_space<vmem>>, vector<512x256xf32>
    %get3A_11 = arith.constant 0 : index
    %get3A_12 = arith.constant 0 : index
    %get3A_13 = vector.load %arg1[%get3A_11, %get3A_12] : memref<256x256xf32, #tpu.memory_space<vmem>>, vector<256x256xf32>
    %get3A_14 = arith.constant 0 : index
    %get3A_15 = arith.constant 0 : index
    %get3A_16 = vector.load %arg2[%get3A_14, %get3A_15] : memref<256x256xf32, #tpu.memory_space<vmem>>, vector<256x256xf32>
    %concatenate3A = tpu.concatenate %get3A_13, %get3A_16 in 0 : vector<256x256xf32>, vector<256x256xf32> -> vector<512x256xf32>
    %concatenate3A_17 = tpu.concatenate %get3A_10, %concatenate3A, %sub3A_7 in 1 : vector<512x256xf32>, vector<512x256xf32>, vector<512x256xf32> -> vector<512x768xf32>
    %get3A_18 = arith.constant 0 : index
    %get3A_19 = arith.constant 0 : index
    %get3A_20 = vector.load %arg4[%get3A_18, %get3A_19] : memref<768x512xf32, #tpu.memory_space<vmem>>, vector<768x512xf32>
    %dot_general3A = arith.constant dense<0.000000e+00> : vector<512x512xf32>
    %dot_general3A_21 = tpu.matmul %concatenate3A_17, %get3A_20, %dot_general3A {dimension_numbers = #tpu.dot_dimension_numbers<[1], [0], [0], [1], [0, 0, 1, 1], [], []>, transpose_lhs_hint = false} : vector<512x768xf32>, vector<768x512xf32>, vector<512x512xf32> -> vector<512x512xf32>
    %get3A_22 = arith.constant 0 : index
    %get3A_23 = memref.load %arg5[%get3A_22] : memref<1xf32, #tpu.memory_space<smem>>
    %add3A = vector.broadcast %get3A_23 : f32 to vector<512x512xf32>
    %add3A_24 = arith.addf %dot_general3A_21, %add3A : vector<512x512xf32>
    %swap3A = arith.constant 0 : index
    %swap3A_25 = arith.constant 0 : index
    %swap3A_26 = vector.load %arg6[%swap3A, %swap3A_25] : memref<512x512xf32, #tpu.memory_space<vmem>>, vector<512x512xf32>
    tpu.vector_store %arg6[%swap3A, %swap3A_25], %add3A_24 {strides = array<i32>} : memref<512x512xf32, #tpu.memory_space<vmem>>, vector<512x512xf32>,
    return
  }
}

module attributes {stable_mosaic.version = 14 : i64} {
  func.func @_bond_body(%arg0: i32, %arg1: memref<4096x256xf32, #tpu.memory_space<vmem>>, %arg2: memref<4096x256xf32, #tpu.memory_space<vmem>>, %arg3: memref<32x256xf32, #tpu.memory_space<vmem>>) attributes {dimension_semantics = [#tpu.dimension_semantics<arbitrary>], iteration_bounds = array<i64: 8>, scalar_prefetch = 0 : i64, scratch_operands = 0 : i64, tpu.core_type = #tpu.core_type<tc>, window_params = [{transform_indices = @transform_0, window_bounds = array<i64: 4096, 256>}, {transform_indices = @transform_1, window_bounds = array<i64: 4096, 256>}, {transform_indices = @transform_2, window_bounds = array<i64: 32, 256>}]} {
    %get3A = arith.constant 0 : index
    %get3A_0 = arith.constant 0 : index
    %get3A_1 = vector.load %arg1[%get3A, %get3A_0] : memref<4096x256xf32, #tpu.memory_space<vmem>>, vector<4096x256xf32>
    %reshape3A = vector.shape_cast %get3A_1 : vector<4096x256xf32> to vector<32x128x256xf32>
    %get3A_2 = arith.constant 0 : index
    %get3A_3 = arith.constant 0 : index
    %get3A_4 = vector.load %arg2[%get3A_2, %get3A_3] : memref<4096x256xf32, #tpu.memory_space<vmem>>, vector<4096x256xf32>
    %reshape3A_5 = vector.shape_cast %get3A_4 : vector<4096x256xf32> to vector<32x128x256xf32>
    %reduce_sum3A = arith.constant dense<0.000000e+00> : vector<32x256xf32>
    %reduce_sum3A_6 = vector.multi_reduction <add>, %reshape3A_5, %reduce_sum3A [1] : vector<32x128x256xf32> to vector<32x256xf32>
    %reduce_sum3A_7 = arith.constant dense<0.000000e+00> : vector<32x256xf32>
    %reduce_sum3A_8 = vector.multi_reduction <add>, %reshape3A, %reduce_sum3A_7 [1] : vector<32x128x256xf32> to vector<32x256xf32>
    %sub3A = arith.subf %reduce_sum3A_6, %reduce_sum3A_8 : vector<32x256xf32>
    %mul3A = arith.constant 6.250000e-03 : f32
    %mul3A_9 = vector.broadcast %mul3A : f32 to vector<32x256xf32>
    %mul3A_10 = arith.mulf %sub3A, %mul3A_9 : vector<32x256xf32>
    %swap3A = arith.constant 0 : index
    %swap3A_11 = arith.constant 0 : index
    %swap3A_12 = vector.load %arg3[%swap3A, %swap3A_11] : memref<32x256xf32, #tpu.memory_space<vmem>>, vector<32x256xf32>
    tpu.vector_store %arg3[%swap3A, %swap3A_11], %mul3A_10 {strides = array<i32>} : memref<32x256xf32, #tpu.memory_space<vmem>>, vector<32x256xf32>,
    return
  }
  func.func @transform_0(%arg0: i32) -> (i32, i32) {
    %add3A = arith.constant 8 : i32
    %add3A_0 = arith.addi %add3A, %arg0 : i32
    %c0_i32 = arith.constant 0 : i32
    %c0_i32_1 = arith.constant 0 : i32
    return %add3A_0, %c0_i32 : i32, i32
  }
  func.func @transform_1(%arg0: i32) -> (i32, i32) {
    %add3A = arith.constant 24 : i32
    %add3A_0 = arith.addi %add3A, %arg0 : i32
    %c0_i32 = arith.constant 0 : i32
    %c0_i32_1 = arith.constant 0 : i32
    return %add3A_0, %c0_i32 : i32, i32
  }
  func.func @transform_2(%arg0: i32) -> (i32, i32) {
    %c0_i32 = arith.constant 0 : i32
    %c0_i32_0 = arith.constant 0 : i32
    return %arg0, %c0_i32 : i32, i32
  }
}

</mosaic_0001>

<sc_bundles>
// kernel: kernel.6.cloned.1.call-start
scs
__scs_entry_jumppad:
0x0: {  	(pc) =	sbr.rel $0x88, $3  }
0x1: {  	(tag) =	ssettag $0x0;
	lr =	simm.s32 $0x1  }
0x2: {  	[smem:$0x3F97] =	sst lr;
	_ =	strace $0xD0000000  }
0x3: {  	_ = 	snop  }
0x4: {  	_ = 	snop  }
0x5: {  	_ = 	snop  }
0x6: {  	_ = 	snop  }
0x7: {  	_ = 	snop  }
__scs_overlays_trampoline_lowered:
0x8: {  	[smem:$0x3FA6] =	sst s0  }
0x9: {  	[smem:$0x3FA7] =	sst s1  }
0xa: {  	[smem:$0x3FA8] =	sst s2  }
0xb: {  	[smem:$0x3FA9] =	sst s3  }
0xc: {  	[smem:$0x3FAA] =	sst s4  }
0xd: {  	[smem:$0x3FAB] =	sst s5  }
0xe: {  	[smem:$0x3FAC] =	sst s6  }
0xf: {  	[smem:$0x3FAD] =	sst s7  }
0x10: {  	[smem:$0x3FAE] =	sst s8  }
0x11: {  	[smem:$0x3FAF] =	sst s9;
	s0 =	simm.s32 @!p0 $0x0  }
0x12: {  	s1 =	sld [smem:$0x3F95];
	s0 =	simm.s32 @p0 $0x1  }
0x13: {  	[smem:$0x3FB0] =	sst s0;
	s0 =	simm.s32 @!p1 $0x0  }
0x14: {  	s2 =	sld [smem:$0x3F94];
	s0 =	simm.s32 @p1 $0x1  }
0x15: {  	[smem:$0x3FB1] =	sst s0;
	s0 =	simm.s32 @!p2 $0x0  }
0x16: {  	s3 =	sld [smem:$0x3FDB];
	s0 =	simm.s32 @p2 $0x1  }
0x17: {  	s4 =	simm.s32 $0x1BF5;
	[smem:$0x3FB3] =	sst s0  }
0x18: {  	s0 =	sld [smem:$0x3F96];
	_ =	swait.ge [sflag:s4], $0x0  }
0x19: {  	s7 =	sld [smem:$0x3F97]  }
0x1a: {  	s8 =	sadd.s32 $0xFFFFE003, lr  }
0x1b: {  	s9 =	sadd.s32 $0xFFFFFEF7, lr;
	s5 =	simm.s32 $0xFFFFFFFF;
	p2 =	slt.u32 s8, $0xFFFFF086  }
0x1c: {  	p1 =	slt.u32 s9, $0xF7A;
	s5 =	simm.s32 @!p2 $0x0  }
0x1d: {  	s5 =	simm.s32 @p1 $0x1;
	p0 =	seq.s32 s7, s2  }
0x1e: {  	s7 =	smul.u32 @!p0 $0xF7A, s2;
	p2 =	seq.s32 @!p0 s5, $0x0  }
0x1f: {  	s9 =	smul.u32 $0xF7A, s1;
	s8 =	simm.s32 @!p0 $0x1BF5;
	p2 =	por !p2, p0  }
0x20: {  	[sflag:s8] =	ssyncset.s32 @!p0 $0xFFFFF086;
	s6 =	sadd.s32 @!p0 s3, s7;
	s7 =	simm.s32 @!p0 $0x108  }
0x21: {  	s3 =	sadd.s32 s3, s9;
	s6 =	sadd.s32 @!p0 $0x88, s6;
	s7 =	simm.s32 @p2 $0x1082  }
0x22: {  	[simem:s7], [sflag:s8] =	dma.local @!p0 [hbm:s6], $0xF7A  }
0x23: {  	s9 =	sor.u32 $0xD0000000, s2;
	s6 =	simm.s32 $0x108;
	_ =	swait.ge @!p0 [sflag:s8], $0x0  }
0x24: {  	s3 =	sadd.s32 $0x88, s3;
	s6 =	simm.s32 @!p1 $0x1082;
	[sflag:s4] =	ssyncset.s32 $0xFFFFF086  }
0x25: {  	[simem:s6], [sflag:s4] =	dma.local [hbm:s3], $0xF7A  }
0x26: {  	[smem:$0x3F97] =	sst s1;
	(tag) =	ssettag s2;
	_ =	strace s9  }
0x27: {  	s1 =	sld [smem:$0x3FA7]  }
0x28: {  	s2 =	sld [smem:$0x3FA8]  }
0x29: {  	s4 =	sld [smem:$0x3FAA]  }
0x2a: {  	p0 =	seq.s32 s5, $0x0;
	s5 =	sld [smem:$0x3FAB]  }
0x2b: {  	s6 =	sld [smem:$0x3FAC]  }
0x2c: {  	s7 =	sld [smem:$0x3FAD]  }
0x2d: {  	s3 =	simm.s32 $0x108;
	s8 =	sld [smem:$0x3FAE]  }
0x2e: {  	s3 =	simm.s32 @!p0 $0x1082;
	s9 =	sld [smem:$0x3FAF]  }
0x2f: {  	lr =	sadd.s32 s0, s3;
	s0 =	sld [smem:$0x3FA6]  }
0x30: {  	s3 =	sld [smem:$0x3FA9]  }
0x31: {  	[smem:$0x3FB2] =	sst s10  }
0x32: {  	s10 =	sld [smem:$0x3FB0];
	_ =	sdelay $0x3  }
0x33: {  	p0 =	seq.s32 s10, $0x1;
	s10 =	sld [smem:$0x3FB2];
	_ =	sdelay $0x3  }
0x34: {  	[smem:$0x3FB2] =	sst s10  }
0x35: {  	s10 =	sld [smem:$0x3FB1];
	_ =	sdelay $0x3  }
0x36: {  	p1 =	seq.s32 s10, $0x1;
	s10 =	sld [smem:$0x3FB2];
	_ =	sdelay $0x3  }
0x37: {  	[smem:$0x3FB2] =	sst s10  }
0x38: {  	s10 =	sld [smem:$0x3FB3]  }
0x39: {  	_ = 	snop;
	(pc) =	sbr.ind lr, $3  }
0x3a: {  	_ = 	snop  }
0x3b: {  	_ = 	snop  }
0x3c: {  	p2 =	seq.s32 s10, $0x1;
	s10 =	sld [smem:$0x3FB2]  }
0x3d: {  	_ =	shalt  }
0x3e: {  	_ =	shalt  }
0x3f: {  	_ =	shalt  }
0x40: {  	_ =	shalt  }
0x41: {  	_ =	shalt  }
0x42: {  	_ =	shalt  }
0x43: {  	_ =	shalt  }
0x44: {  	_ =	shalt  }
0x45: {  	_ =	shalt  }
0x46: {  	_ =	shalt  }
0x47: {  	_ =	shalt  }
0x48: {  	_ =	shalt  }
0x49: {  	_ =	shalt  }
0x4a: {  	_ =	shalt  }
0x4b: {  	_ =	shalt  }
0x4c: {  	_ =	shalt  }
0x4d: {  	_ =	shalt  }
0x4e: {  	_ =	shalt  }
0x4f: {  	_ =	shalt  }
0x50: {  	_ =	shalt  }
0x51: {  	_ =	shalt  }
0x52: {  	_ =	shalt  }
0x53: {  	_ =	shalt  }
0x54: {  	_ =	shalt  }
0x55: {  	_ =	shalt  }
0x56: {  	_ =	shalt  }
0x57: {  	_ =	shalt  }
0x58: {  	_ =	shalt  }
0x59: {  	_ =	shalt  }
0x5a: {  	_ =	shalt  }
0x5b: {  	_ =	shalt  }
0x5c: {  	_ =	shalt  }
0x5d: {  	_ =	shalt  }
0x5e: {  	_ =	shalt  }
0x5f: {  	_ =	shalt  }
0x60: {  	_ =	shalt  }
0x61: {  	_ =	shalt  }
0x62: {  	_ =	shalt  }
0x63: {  	_ =	shalt  }
0x64: {  	_ =	shalt  }
0x65: {  	_ =	shalt  }
0x66: {  	_ =	shalt  }
0x67: {  	_ =	shalt  }
0x68: {  	_ =	shalt  }
0x69: {  	_ =	shalt  }
0x6a: {  	_ =	shalt  }
0x6b: {  	_ =	shalt  }
0x6c: {  	_ =	shalt  }
0x6d: {  	_ =	shalt  }
0x6e: {  	_ =	shalt  }
0x6f: {  	_ =	shalt  }
0x70: {  	_ =	shalt  }
0x71: {  	_ =	shalt  }
0x72: {  	_ =	shalt  }
0x73: {  	_ =	shalt  }
0x74: {  	_ =	shalt  }
0x75: {  	_ =	shalt  }
0x76: {  	_ =	shalt  }
0x77: {  	_ =	shalt  }
0x78: {  	_ =	shalt  }
0x79: {  	_ =	shalt  }
0x7a: {  	_ =	shalt  }
0x7b: {  	_ =	shalt  }
0x7c: {  	_ =	shalt  }
0x7d: {  	_ =	shalt  }
0x7e: {  	_ =	shalt  }
0x7f: {  	_ =	shalt  }
0x80: {  	_ =	shalt  }
0x81: {  	_ =	shalt  }
0x82: {  	_ =	shalt  }
0x83: {  	_ =	shalt  }
0x84: {  	_ =	shalt  }
0x85: {  	_ =	shalt  }
0x86: {  	_ =	shalt  }
0x87: {  	_ =	shalt  }
.Lfunc_end0:
.L_simem_size_0:
called_computation_lowered:
.L_overlay_start_0:
0x88: {  	s2 =	sld [smem:$0x3FD9]  }
0x89: {  	s3 =	sld [smem:$0x3FFE];
	_ =	sdelay $0x1  }
0x8a: {  	s1 =	srdreg.scid  }
0x8b: {  	s0 =	sand.u32 $0x1, s1  }
0x8c: {  	s18 =	sshll.u32 s0, $0xA;
	s2 =	sadd.s32 s3, s2  }
0x8d: {  	s2 =	sadd.s32 s2, s18  }
0x8e: {  	[smem:$0x3FBE] =	sst s2  }
0x8f: {  	_ = 	snop  }
0x90: {  	s2 =	sld [smem:$0x3FC8]  }
0x91: {  	s19 =	sld [smem:$0x3FD0];
	(tm) =	ssettm $0x1  }
0x92: {  	s4 =	sld [smem:$0x3FFB];
	_ =	sdelay $0x3  }
0x93: {  	_ =	strace s4  }
0x94: {  	s4 =	sld [smem:$0x3FFC];
	_ =	sdelay $0x3  }
0x95: {  	_ =	strace s4  }
0x96: {  	s4 =	sld [smem:$0x3FFD];
	_ =	sdelay $0x3  }
0x97: {  	_ =	strace s4  }
0x98: {  	_ =	strace $0x8FFFFFFF  }
0x99: {  	s20 =	sld [smem:$0x3FDB];
	_ =	sdelay $0x1  }
0x9a: {  	s5 =	simm.s32 $_scs_section_size  }
0x9b: {  	s6 =	simm.s32 $_size__tile_overlayer_lowered;
	s7 =	simm.s32 $_tile_overlayer_lowered  }
0x9c: {  	s23 =	simm.s32 $0x1BFF;
	s22 =	sshll.u32 s7, $0x1;
	s4 =	sadd.s32 s5, s20  }
0x9d: {  	s8 =	simm.s32 $0x0;
	s21 =	sshll.u32 s6, $0x1;
	s6 =	sadd.s32 s22, s4  }
0x9e: {  	[timem:s8], [sflag:s23] =	dma.local [hbm:s6], s21  }
0x9f: {  	_ =	swait.ge [sflag:s23], s21  }
0xa0: {  	s5 =	ssub.s32 $0x0, s21;
	[sflag:s23] =	ssyncset.done $0x0  }
0xa1: {  	[sflag:s23] =	ssyncadd.s32 s5;
	_ =	sdelay $0x1  }
0xa2: {  	s24 =	simm.s32 $0x1B8B  }
0xa3: {  	_ =	swait.ge [sflag:s24], $0x1  }
0xa4: {  	[sflag:s24] =	ssyncset.done $0x0  }
0xa5: {  	s25 =	simm.s32 $0x1B8E;
	[sflag:s24] =	ssyncadd.s32 $0xFFFFFFFF  }
0xa6: {  	s26 =	simm.s32 $execute0_lowered;
	[smem:$0x3FD2] =	sst s25  }
0xa7: {  	s5 =	sshll.u32 s26, $0x1;
	_ =	strace $0x80000046;
	[dreg:$0x1] =	wrdreg $0xFFFFFFFF  }
0xa8: {  	s28 =	simm.s32 $_size_execute0_lowered;
	s4 =	sadd.s32 s4, s5;
	[dreg:$0x0] =	wrdreg $0x0  }
0xa9: {  	s5 =	sshll.u32 s28, $0x1;
	[dreg:$0x2] =	wrdreg s4  }
0xaa: {  	[dreg:$0x3] =	wrdreg s5  }
0xab: {  	[dreg:$0x4] =	wrdreg $0xC0  }
0xac: {  	_ =	task [dreg:s8], $0x5FFFF  }
0xad: {  	[dreg:$0x1] =	wrdreg $0xFFFFFFFF  }
0xae: {  	[dreg:$0x0] =	wrdreg $0x60  }
0xaf: {  	[dreg:$0x2] =	wrdreg s2  }
0xb0: {  	[dreg:$0x3] =	wrdreg s19  }
0xb1: {  	[dreg:$0x4] =	wrdreg $0x9  }
0xb2: {  	_ =	task.clear_ibuf [dreg:s8], $0x5FFFF;
	_ =	strace $0x90000046  }
0xb3: {  	s29 =	simm.s32 $0x9;
	_ =	strace $0x80000048  }
0xb4: {  	_ =	swait.ge [sflag:s29], $0x1  }
0xb5: {  	[sflag:s29] =	ssyncadd.s32 $0xFFFFFFFF  }
0xb6: {  	_ =	strace $0x90000048  }
0xb7: {  	_ =	sfence  }
0xb8: {  	s30 =	sld [smem:$0x0];
	_ =	sdelay $0x2  }
0xb9: {  	s31 =	sshll.u32 s1, $0xD;
	s1 =	sshrl.u32 s1, $0x2  }
0xba: {  	s3 =	sand.u32 $0x4000, s31;
	s1 =	sadd.s32 s1, s30  }
0xbb: {  	s0 =	sor.u32 s3, s0;
	s1 =	sshll.u32 s1, $0x11  }
0xbc: {  	s0 =	sor.u32 s1, s0  }
0xbd: {  	s0 =	sadd.s32 $0x8F2B, s0  }
0xbe: {  	[sflag:s0] =	ssyncadd.remote.s32 $0x1  }
0xbf: {  	_ =	sfence.sel $0xFFFF  }
0xc0: {  	[dreg:$0x0] =	wrdreg $0xFFFFFFFF;
	(pc) =	sbr.abs _section_cstart, $3  }
0xc1: {  	[dreg:$0x1] =	wrdreg $0xFFFFFFFF  }
0xc2: {  	_ =	task.clear_ibuf [dreg:s8], $0x2FFFF;
	_ =	strace $0x9FFFFFFF  }
0xc3: {  	(tm) =	ssettm $0x7FFFFFFF  }
tec
execute0_lowered:
.L_overlay_start_1:
0x0: {  	(tag) =	ssettag $0x1  }
0x1: {  	s1 =	rddreg [dreg:$0x0]  }
0x2: {  	s11 =	rddreg [dreg:$0x1]  }
0x3: {  	s0 =	rddreg [dreg:$0x2];
	s4 =	srdreg.scid  }
0x4: {  	s3 =	simm.s32 $0x0;
	s2 =	stileid.u32;
	s14 =	simm.s32 $0x1  }
0x5: {  	s15 =	simm.s32 $0x2;
	s16 =	simm.s32 $0x8000;
	s17 =	simm.s32 $0x3  }
0x6: {  	s18 =	simm.s32 $0x0;
	s4 =	sand.u32 $0x1, s4;
	[smem:$0x7FF] =	sst s3  }
0x7: {  	s6 =	sshll.u32 s2, $0x1;
	s9 =	sadd.s32 $0x200000, s1;
	s5 =	ssub.s32 $0x2, s4  }
0x8: {  	_ =	strace $0x80000047;
	s10 =	sor.u32 s4, s6;
	s4 =	sadd.s32 $0x800, s1  }
0x9: {  	s7 =	sshrl.u32 s5, $0x1;
	s31 =	sshll.u32 s10, $0xF;
	s8 =	sshllo.u32 s10, $0x3  }
0xa: {  	s13 =	sshll.u32 s10, $0x8;
	s12 =	ssub.s32 s5, s7;
	s5 =	sshll.u32 s10, $0x3  }
0xb: {  	s6 =	sadd.s32 s1, s31;
	s7 =	sadd.s32 s31, s4;
	s10 =	sadd.s32 $0x200800, s1  }
0xc: {  	s11 =	sadd.s32 s11, s13;
	s13 =	simm.s32 $0x4000;
	s12 =	smax.u32 s12, $0x1  }
.LBB2_1:
0xd: {  	[tilespmem:s3], [sflag:$0x1] =	stream.linear.gather [hbm4b:s6+s3], $0x4000, $0x38;
	[tilespmem:$0x8800] =	vst v63  }
0xe: {  	s19 =	simm.s32 $0x0  }
0xf: {  	[tilespmem:s13], [sflag:$0x2] =	stream.linear.gather [hbm4b:s7+s3], $0x4000, $0x38;
	[tilespmem:$0x8800] =	vst v63  }
.LBB2_2:
0x10: {  	_ =	swait.ge [sflag:s14], $0x4000;
	s20 =	simm.s32 $0x0  }
0x11: {  	[sflag:s14] =	ssyncset.done $0x0;
	s21 =	sand.u32 $0x3800, s20;
	s20 =	sand.u32 $0x380, s20  }
0x12: {  	[sflag:s14] =	ssyncadd.s32 $0xFFFFC000;
	s20 =	sor.u32 s20, s21  }
0x13: {  	v0 =	vld [tilespmem:s20+$0x470]  }
0x14: {  	v1 =	vld [tilespmem:s20+$0x0]  }
0x15: {  	v3 =	vld [tilespmem:s20+$0x10]  }
0x16: {  	v4 =	vld [tilespmem:s20+$0x20]  }
0x17: {  	v5 =	vld [tilespmem:s20+$0x30]  }
0x18: {  	v6 =	vld [tilespmem:s20+$0x40]  }
0x19: {  	v7 =	vld [tilespmem:s20+$0x50]  }
0x1a: {  	v9 =	vld [tilespmem:s20+$0x60]  }
0x1b: {  	v10 =	vimm.f32 $0.0e+00;
	v11 =	vld [tilespmem:s20+$0x70]  }
0x1c: {  	v12 =	vld [tilespmem:s20+$0x400];
	v2 =	vsub.f32 v10, v0  }
0x1d: {  	v17 =	vld [tilespmem:s20+$0x410];
	v8 =	vsub.f32 v10, v1;
	v3 =	vsub.f32 v10, v3  }
0x1e: {  	v15 =	vimm.f32 $0.0e+00;
	v18 =	vld [tilespmem:s20+$0x420];
	v4 =	vsub.f32 v10, v4;
	v0 =	vsub.f32 v10, v5  }
0x1f: {  	v13 =	vimm.f32 $0.0e+00;
	v16 =	vld [tilespmem:s20+$0x430];
	v5 =	vsub.f32 v10, v6;
	v1 =	vsub.f32 v10, v7  }
0x20: {  	s22 =	simm.s32 $0x100;
	v14 =	vimm.f32 $0.0e+00;
	s21 =	simm.s32 $0x80;
	v19 =	vld [tilespmem:s20+$0x440];
	v6 =	vsub.f32 v10, v9;
	v7 =	vsub.f32 v10, v11  }
0x21: {  	s23 =	sand.u32 $0x3800, s22;
	s22 =	simm.s32 $0x200;
	s24 =	sand.u32 $0x380, s21;
	v20 =	vld [tilespmem:s20+$0x450];
	v9 =	vsub.f32 v10, v12;
	v12 =	vimm.f32 $0.0e+00;
	v11 =	vimm.f32 $0.0e+00  }
.LBB2_3:
0x22: {  	p0 =	sne.s32 s22, $0x3F00;
	v10 =	vsub.f32 v10, v17;
	v17 =	vld [tilespmem:s20+$0x460];
	s20 =	sor.u32 s24, s23  }
0x23: {  	v21 =	vld [tilespmem:s20+$0x470];
	v12 =	vsub.f32 v12, v18  }
0x24: {  	v18 =	vld [tilespmem:s20+$0x0];
	v11 =	vsub.f32 v11, v16  }
0x25: {  	v16 =	vld [tilespmem:s20+$0x10];
	v15 =	vsub.f32 v15, v19  }
0x26: {  	v19 =	vld [tilespmem:s20+$0x20];
	v13 =	vsub.f32 v13, v20  }
0x27: {  	v20 =	vld [tilespmem:s20+$0x30];
	v14 =	vsub.f32 v14, v17  }
0x28: {  	v17 =	vld [tilespmem:s20+$0x40];
	v2 =	vsub.f32 v2, v21  }
0x29: {  	v8 =	vsub.f32 v8, v18;
	v18 =	vld [tilespmem:s20+$0x50]  }
0x2a: {  	v3 =	vsub.f32 v3, v16;
	v16 =	vld [tilespmem:s20+$0x60]  }
0x2b: {  	v4 =	vsub.f32 v4, v19;
	v19 =	vld [tilespmem:s20+$0x70]  }
0x2c: {  	v0 =	vsub.f32 v0, v20;
	v20 =	vld [tilespmem:s20+$0x400]  }
.Ltmp0:
0x2d: {  	v5 =	vsub.f32 v5, v17;
	v17 =	vld [tilespmem:s20+$0x410];
	(pc) =	sbr.rel @p0 .LBB2_3-.Ltmp0, $4  }
0x2e: {  	v1 =	vsub.f32 v1, v18;
	v18 =	vld [tilespmem:s20+$0x420]  }
0x2f: {  	v6 =	vsub.f32 v6, v16;
	v16 =	vld [tilespmem:s20+$0x430]  }
0x30: {  	s21 =	sadd.s32 $0x80, s21;
	v7 =	vsub.f32 v7, v19;
	v19 =	vld [tilespmem:s20+$0x440]  }
0x31: {  	s23 =	sand.u32 $0x3800, s22;
	s22 =	sadd.s32 $0x100, s22;
	s24 =	sand.u32 $0x380, s21;
	v9 =	vsub.f32 v9, v20;
	v20 =	vld [tilespmem:s20+$0x450]  }
0x32: {  	s22 =	sor.u32 s24, s23;
	v21 =	vld [tilespmem:s20+$0x460]  }
0x33: {  	v22 =	vld [tilespmem:s22+$0x470]  }
0x34: {  	v23 =	vld [tilespmem:s22+$0x0]  }
0x35: {  	v24 =	vld [tilespmem:s22+$0x10]  }
0x36: {  	v25 =	vld [tilespmem:s22+$0x20]  }
0x37: {  	v26 =	vld [tilespmem:s22+$0x30]  }
0x38: {  	v27 =	vld [tilespmem:s22+$0x40]  }
0x39: {  	v28 =	vld [tilespmem:s22+$0x50]  }
0x3a: {  	v29 =	vld [tilespmem:s22+$0x60]  }
0x3b: {  	v30 =	vld [tilespmem:s22+$0x70]  }
0x3c: {  	v31 =	vld [tilespmem:s22+$0x400]  }
0x3d: {  	v32 =	vld [tilespmem:s22+$0x410]  }
0x3e: {  	v33 =	vld [tilespmem:s22+$0x420]  }
0x3f: {  	s20 =	sor.u32 s5, s19;
	v34 =	vld [tilespmem:s22+$0x430]  }
0x40: {  	v35 =	vld [tilespmem:s22+$0x440];
	s21 =	sshll.u32 s20, $0xC  }
0x41: {  	s29 =	simm.s32 $0x0;
	v36 =	vld [tilespmem:s22+$0x450];
	s28 =	sadd.s32 s21, s9  }
0x42: {  	v37 =	vld [tilespmem:s22+$0x460];
	[tilespmem:s29], [sflag:$0x1] =	stream.linear.gather [hbm4b:s28+s29], $0x4000, $0x38  }
0x43: {  	_ =	swait.ge [sflag:s15], $0x4000  }
0x44: {  	s30 =	sand.u32 $0x3800, s29;
	s23 =	sand.u32 $0x380, s29;
	[sflag:s15] =	ssyncset.done $0x0  }
0x45: {  	v10 =	vsub.f32 v10, v17;
	v12 =	vsub.f32 v12, v18;
	s22 =	sor.u32 s23, s30;
	[sflag:s15] =	ssyncadd.s32 $0xFFFFC000  }
0x46: {  	v16 =	vsub.f32 v11, v16;
	v15 =	vsub.f32 v15, v19;
	v17 =	vld [tilespmem:s22+$0x4470]  }
0x47: {  	v13 =	vsub.f32 v13, v20;
	v14 =	vsub.f32 v14, v21;
	v18 =	vld [tilespmem:s22+$0x4000]  }
0x48: {  	v19 =	vsub.f32 v2, v22;
	v8 =	vsub.f32 v8, v23;
	v20 =	vld [tilespmem:s22+$0x4010]  }
0x49: {  	v21 =	vsub.f32 v3, v24;
	v22 =	vsub.f32 v4, v25;
	v23 =	vld [tilespmem:s22+$0x4020]  }
0x4a: {  	v56 =	vsub.f32 v0, v26;
	v57 =	vsub.f32 v5, v27;
	v58 =	vld [tilespmem:s22+$0x4030]  }
0x4b: {  	v59 =	vsub.f32 v1, v28;
	v60 =	vsub.f32 v6, v29;
	v61 =	vld [tilespmem:s22+$0x4040]  }
0x4c: {  	v30 =	vsub.f32 v7, v30;
	v31 =	vsub.f32 v9, v31;
	v38 =	vld [tilespmem:s22+$0x4050]  }
0x4d: {  	v11 =	vsub.f32 v10, v32;
	v12 =	vsub.f32 v12, v33;
	v62 =	vld [tilespmem:s22+$0x4060]  }
0x4e: {  	v0 =	vsub.f32 v16, v34;
	v1 =	vsub.f32 v15, v35;
	v15 =	vld [tilespmem:s22+$0x4070]  }
0x4f: {  	v2 =	vsub.f32 v13, v36;
	v3 =	vsub.f32 v14, v37;
	v63 =	vld [tilespmem:s22+$0x4400]  }
0x50: {  	v16 =	vld [tilespmem:s22+$0x4410];
	v4 =	vsub.f32 v19, v17;
	v5 =	vsub.f32 v8, v18  }
0x51: {  	v6 =	vsub.f32 v21, v20;
	v7 =	vsub.f32 v22, v23;
	v17 =	vld [tilespmem:s22+$0x4420]  }
0x52: {  	v8 =	vsub.f32 v56, v58;
	v9 =	vsub.f32 v57, v61;
	v18 =	vld [tilespmem:s22+$0x4430]  }
0x53: {  	s31 =	simm.s32 $0x100;
	s23 =	simm.s32 $0x80;
	v10 =	vsub.f32 v59, v38;
	v13 =	vsub.f32 v60, v62;
	v19 =	vld [tilespmem:s22+$0x4440]  }
0x54: {  	s24 =	simm.s32 $0x200;
	s25 =	sand.u32 $0x3800, s31;
	s26 =	sand.u32 $0x380, s23;
	v14 =	vsub.f32 v30, v15;
	v15 =	vsub.f32 v31, v63;
	v20 =	vld [tilespmem:s22+$0x4450]  }
.LBB2_5:
0x55: {  	p0 =	sne.s32 s24, $0x3F00;
	v11 =	vsub.f32 v11, v16;
	v16 =	vld [tilespmem:s22+$0x4460];
	s22 =	sor.u32 s26, s25  }
0x56: {  	v21 =	vld [tilespmem:s22+$0x4470];
	v12 =	vsub.f32 v12, v17  }
0x57: {  	v17 =	vld [tilespmem:s22+$0x4000];
	v0 =	vsub.f32 v0, v18  }
0x58: {  	v18 =	vld [tilespmem:s22+$0x4010];
	v1 =	vsub.f32 v1, v19  }
0x59: {  	v19 =	vld [tilespmem:s22+$0x4020];
	v2 =	vsub.f32 v2, v20  }
0x5a: {  	v20 =	vld [tilespmem:s22+$0x4030];
	v3 =	vsub.f32 v3, v16  }
0x5b: {  	v16 =	vld [tilespmem:s22+$0x4040];
	v4 =	vsub.f32 v4, v21  }
0x5c: {  	v5 =	vsub.f32 v5, v17;
	v17 =	vld [tilespmem:s22+$0x4050]  }
0x5d: {  	v6 =	vsub.f32 v6, v18;
	v18 =	vld [tilespmem:s22+$0x4060]  }
0x5e: {  	v7 =	vsub.f32 v7, v19;
	v19 =	vld [tilespmem:s22+$0x4070]  }
0x5f: {  	v8 =	vsub.f32 v8, v20;
	v20 =	vld [tilespmem:s22+$0x4400]  }
.Ltmp1:
0x60: {  	v9 =	vsub.f32 v9, v16;
	v16 =	vld [tilespmem:s22+$0x4410];
	(pc) =	sbr.rel @p0 .LBB2_5-.Ltmp1, $4  }
0x61: {  	v10 =	vsub.f32 v10, v17;
	v17 =	vld [tilespmem:s22+$0x4420]  }
0x62: {  	v13 =	vsub.f32 v13, v18;
	v18 =	vld [tilespmem:s22+$0x4430]  }
0x63: {  	s23 =	sadd.s32 $0x80, s23;
	v14 =	vsub.f32 v14, v19;
	v19 =	vld [tilespmem:s22+$0x4440]  }
0x64: {  	s25 =	sand.u32 $0x3800, s24;
	s24 =	sadd.s32 $0x100, s24;
	s26 =	sand.u32 $0x380, s23;
	v15 =	vsub.f32 v15, v20;
	v20 =	vld [tilespmem:s22+$0x4450]  }
0x65: {  	s23 =	sor.u32 s26, s25;
	v21 =	vld [tilespmem:s22+$0x4460]  }
0x66: {  	v22 =	vld [tilespmem:s23+$0x4470]  }
0x67: {  	v23 =	vld [tilespmem:s23+$0x4000]  }
0x68: {  	v24 =	vld [tilespmem:s23+$0x4010]  }
0x69: {  	v25 =	vld [tilespmem:s23+$0x4020]  }
0x6a: {  	v26 =	vld [tilespmem:s23+$0x4030]  }
0x6b: {  	v27 =	vld [tilespmem:s23+$0x4040]  }
0x6c: {  	v28 =	vld [tilespmem:s23+$0x4050]  }
0x6d: {  	v29 =	vld [tilespmem:s23+$0x4060]  }
0x6e: {  	v30 =	vld [tilespmem:s23+$0x4070]  }
0x6f: {  	v31 =	vld [tilespmem:s23+$0x4400]  }
0x70: {  	v32 =	vld [tilespmem:s23+$0x4410]  }
0x71: {  	v33 =	vld [tilespmem:s23+$0x4420]  }
0x72: {  	v34 =	vld [tilespmem:s23+$0x4430]  }
0x73: {  	v35 =	vld [tilespmem:s23+$0x4440]  }
0x74: {  	s21 =	sadd.s32 s21, s10;
	s29 =	simm.s32 $0x0;
	v36 =	vld [tilespmem:s23+$0x4450]  }
0x75: {  	v37 =	vld [tilespmem:s23+$0x4460];
	[tilespmem:s13], [sflag:$0x2] =	stream.linear.gather [hbm4b:s21+s29], $0x4000, $0x38  }
0x76: {  	_ =	swait.ge [sflag:s14], $0x4000  }
0x77: {  	s30 =	sand.u32 $0x3800, s29;
	s22 =	sand.u32 $0x380, s29;
	[sflag:s14] =	ssyncset.done $0x0  }
0x78: {  	v11 =	vsub.f32 v11, v16;
	v12 =	vsub.f32 v12, v17;
	s21 =	sor.u32 s22, s30;
	[sflag:s14] =	ssyncadd.s32 $0xFFFFC000  }
0x79: {  	v0 =	vsub.f32 v0, v18;
	v1 =	vsub.f32 v1, v19;
	v16 =	vld [tilespmem:s21+$0x470]  }
0x7a: {  	v2 =	vsub.f32 v2, v20;
	v3 =	vsub.f32 v3, v21;
	v17 =	vld [tilespmem:s21+$0x0]  }
0x7b: {  	v18 =	vld [tilespmem:s21+$0x10];
	v4 =	vsub.f32 v4, v22;
	v5 =	vsub.f32 v5, v23  }
0x7c: {  	v19 =	vld [tilespmem:s21+$0x20];
	v6 =	vsub.f32 v6, v24;
	v7 =	vsub.f32 v7, v25  }
0x7d: {  	v20 =	vld [tilespmem:s21+$0x30];
	v8 =	vsub.f32 v8, v26;
	v9 =	vsub.f32 v9, v27  }
0x7e: {  	v21 =	vld [tilespmem:s21+$0x40];
	v10 =	vsub.f32 v10, v28;
	v13 =	vsub.f32 v13, v29  }
0x7f: {  	v62 =	vld [tilespmem:s21+$0x70];
	v14 =	vsub.f32 v14, v30;
	v15 =	vsub.f32 v15, v31  }
0x80: {  	v63 =	vld [tilespmem:s21+$0x400];
	v11 =	vsub.f32 v11, v32;
	v12 =	vsub.f32 v12, v33  }
0x81: {  	v22 =	vld [tilespmem:s21+$0x50];
	v0 =	vsub.f32 v0, v34;
	v1 =	vsub.f32 v1, v35  }
0x82: {  	v23 =	vld [tilespmem:s21+$0x60];
	v2 =	vsub.f32 v2, v36;
	v3 =	vsub.f32 v3, v37  }
0x83: {  	v4 =	vadd.f32 v16, v4;
	v5 =	vadd.f32 v17, v5;
	v16 =	vld [tilespmem:s21+$0x410]  }
0x84: {  	v6 =	vadd.f32 v18, v6;
	v7 =	vadd.f32 v19, v7;
	v17 =	vld [tilespmem:s21+$0x420]  }
0x85: {  	v8 =	vadd.f32 v20, v8;
	v9 =	vadd.f32 v21, v9;
	v18 =	vld [tilespmem:s21+$0x430]  }
0x86: {  	s31 =	simm.s32 $0x100;
	s22 =	simm.s32 $0x80;
	v19 =	vld [tilespmem:s21+$0x440];
	v14 =	vadd.f32 v62, v14;
	v15 =	vadd.f32 v63, v15  }
0x87: {  	s24 =	sand.u32 $0x3800, s31;
	s23 =	simm.s32 $0x200;
	s25 =	sand.u32 $0x380, s22;
	v20 =	vld [tilespmem:s21+$0x450];
	v10 =	vadd.f32 v22, v10;
	v13 =	vadd.f32 v23, v13  }
.LBB2_7:
0x88: {  	p0 =	sne.s32 s23, $0x3F00;
	v11 =	vadd.f32 v16, v11;
	v16 =	vld [tilespmem:s21+$0x460];
	s21 =	sor.u32 s25, s24  }
0x89: {  	v21 =	vld [tilespmem:s21+$0x470];
	v12 =	vadd.f32 v17, v12  }
0x8a: {  	v17 =	vld [tilespmem:s21+$0x0];
	v0 =	vadd.f32 v18, v0  }
0x8b: {  	v18 =	vld [tilespmem:s21+$0x10];
	v1 =	vadd.f32 v19, v1  }
0x8c: {  	v19 =	vld [tilespmem:s21+$0x20];
	v2 =	vadd.f32 v20, v2  }
0x8d: {  	v20 =	vld [tilespmem:s21+$0x30];
	v3 =	vadd.f32 v16, v3  }
0x8e: {  	v16 =	vld [tilespmem:s21+$0x40];
	v4 =	vadd.f32 v21, v4  }
0x8f: {  	v5 =	vadd.f32 v17, v5;
	v17 =	vld [tilespmem:s21+$0x50]  }
0x90: {  	v6 =	vadd.f32 v18, v6;
	v18 =	vld [tilespmem:s21+$0x60]  }
0x91: {  	v7 =	vadd.f32 v19, v7;
	v19 =	vld [tilespmem:s21+$0x70]  }
0x92: {  	v8 =	vadd.f32 v20, v8;
	v20 =	vld [tilespmem:s21+$0x400]  }
.Ltmp2:
0x93: {  	v9 =	vadd.f32 v16, v9;
	v16 =	vld [tilespmem:s21+$0x410];
	(pc) =	sbr.rel @p0 .LBB2_7-.Ltmp2, $4  }
0x94: {  	v10 =	vadd.f32 v17, v10;
	v17 =	vld [tilespmem:s21+$0x420]  }
0x95: {  	v13 =	vadd.f32 v18, v13;
	v18 =	vld [tilespmem:s21+$0x430]  }
0x96: {  	s22 =	sadd.s32 $0x80, s22;
	v14 =	vadd.f32 v19, v14;
	v19 =	vld [tilespmem:s21+$0x440]  }
0x97: {  	s24 =	sand.u32 $0x3800, s23;
	s23 =	sadd.s32 $0x100, s23;
	s25 =	sand.u32 $0x380, s22;
	v15 =	vadd.f32 v20, v15;
	v20 =	vld [tilespmem:s21+$0x450]  }
0x98: {  	s22 =	sor.u32 s25, s24;
	v21 =	vld [tilespmem:s21+$0x460]  }
0x99: {  	v22 =	vld [tilespmem:s22+$0x470]  }
0x9a: {  	v23 =	vld [tilespmem:s22+$0x0]  }
0x9b: {  	v24 =	vld [tilespmem:s22+$0x10]  }
0x9c: {  	v25 =	vld [tilespmem:s22+$0x20]  }
0x9d: {  	v26 =	vld [tilespmem:s22+$0x30]  }
0x9e: {  	v27 =	vld [tilespmem:s22+$0x40]  }
0x9f: {  	v28 =	vld [tilespmem:s22+$0x50]  }
0xa0: {  	v29 =	vld [tilespmem:s22+$0x60]  }
0xa1: {  	v30 =	vld [tilespmem:s22+$0x70]  }
0xa2: {  	s20 =	sadd.s32 $0x1, s20;
	v31 =	vld [tilespmem:s22+$0x400]  }
0xa3: {  	s21 =	smov.u32 s8;
	v32 =	vld [tilespmem:s22+$0x410];
	p0 =	slt.s32 s20, s8  }
0xa4: {  	v33 =	vld [tilespmem:s22+$0x420];
	s21 =	smov.u32 @p0 s20  }
0xa5: {  	v34 =	vld [tilespmem:s22+$0x430];
	s20 =	sshll.u32 s21, $0xC  }
0xa6: {  	v35 =	vld [tilespmem:s22+$0x440];
	s20 =	sand.u32 $0x1FFFF000, s20  }
0xa7: {  	s30 =	simm.s32 $0x0;
	v36 =	vld [tilespmem:s22+$0x450];
	s29 =	sadd.s32 s1, s20  }
0xa8: {  	v37 =	vld [tilespmem:s22+$0x460];
	[tilespmem:s30], [sflag:$0x1] =	stream.linear.gather [hbm4b:s29+s30], $0x4000, $0x38  }
0xa9: {  	_ =	swait.ge [sflag:s15], $0x4000  }
0xaa: {  	s31 =	sand.u32 $0x3800, s30;
	s22 =	sand.u32 $0x380, s30;
	[sflag:s15] =	ssyncset.done $0x0  }
0xab: {  	v11 =	vadd.f32 v16, v11;
	v12 =	vadd.f32 v17, v12;
	s21 =	sor.u32 s22, s31;
	[sflag:s15] =	ssyncadd.s32 $0xFFFFC000  }
0xac: {  	v0 =	vadd.f32 v18, v0;
	v1 =	vadd.f32 v19, v1;
	v16 =	vld [tilespmem:s21+$0x4470]  }
0xad: {  	v2 =	vadd.f32 v20, v2;
	v17 =	vadd.f32 v21, v3;
	v18 =	vld [tilespmem:s21+$0x4000]  }
0xae: {  	v19 =	vadd.f32 v22, v4;
	v20 =	vadd.f32 v23, v5;
	v21 =	vld [tilespmem:s21+$0x4010]  }
0xaf: {  	v22 =	vadd.f32 v24, v6;
	v7 =	vadd.f32 v25, v7;
	v23 =	vld [tilespmem:s21+$0x4020]  }
0xb0: {  	v8 =	vadd.f32 v26, v8;
	v9 =	vadd.f32 v27, v9;
	v55 =	vld [tilespmem:s21+$0x4030]  }
0xb1: {  	v10 =	vadd.f32 v28, v10;
	v56 =	vadd.f32 v29, v13;
	v57 =	vld [tilespmem:s21+$0x4040]  }
0xb2: {  	v58 =	vadd.f32 v30, v14;
	v59 =	vadd.f32 v31, v15;
	v60 =	vld [tilespmem:s21+$0x4050]  }
0xb3: {  	v6 =	vadd.f32 v32, v11;
	v5 =	vadd.f32 v33, v12;
	v61 =	vld [tilespmem:s21+$0x4060]  }
0xb4: {  	v4 =	vadd.f32 v34, v0;
	v3 =	vadd.f32 v35, v1;
	v62 =	vld [tilespmem:s21+$0x4070]  }
0xb5: {  	v2 =	vadd.f32 v36, v2;
	v1 =	vadd.f32 v37, v17;
	v63 =	vld [tilespmem:s21+$0x4400]  }
0xb6: {  	v0 =	vadd.f32 v16, v19;
	v15 =	vadd.f32 v18, v20;
	v19 =	vld [tilespmem:s21+$0x4410]  }
0xb7: {  	v14 =	vadd.f32 v21, v22;
	v13 =	vadd.f32 v23, v7;
	v18 =	vld [tilespmem:s21+$0x4420]  }
0xb8: {  	v12 =	vadd.f32 v55, v8;
	v11 =	vadd.f32 v57, v9;
	v16 =	vld [tilespmem:s21+$0x4430]  }
0xb9: {  	s23 =	simm.s32 $0x100;
	s22 =	simm.s32 $0x80;
	v17 =	vld [tilespmem:s21+$0x4440];
	v10 =	vadd.f32 v60, v10;
	v9 =	vadd.f32 v61, v56  }
0xba: {  	s24 =	sand.u32 $0x3800, s23;
	s23 =	simm.s32 $0x200;
	s25 =	sand.u32 $0x380, s22;
	v7 =	vadd.f32 v62, v58;
	v8 =	vadd.f32 v63, v59;
	v20 =	vld [tilespmem:s21+$0x4450]  }
.LBB2_9:
0xbb: {  	p0 =	sne.s32 s23, $0x3F00;
	v6 =	vadd.f32 v19, v6;
	v19 =	vld [tilespmem:s21+$0x4460];
	s21 =	sor.u32 s25, s24  }
0xbc: {  	v21 =	vld [tilespmem:s21+$0x4470];
	v5 =	vadd.f32 v18, v5  }
0xbd: {  	v18 =	vld [tilespmem:s21+$0x4000];
	v4 =	vadd.f32 v16, v4  }
0xbe: {  	v16 =	vld [tilespmem:s21+$0x4010];
	v3 =	vadd.f32 v17, v3  }
0xbf: {  	v17 =	vld [tilespmem:s21+$0x4020];
	v2 =	vadd.f32 v20, v2  }
0xc0: {  	v20 =	vld [tilespmem:s21+$0x4030];
	v1 =	vadd.f32 v19, v1  }
0xc1: {  	v19 =	vld [tilespmem:s21+$0x4040];
	v0 =	vadd.f32 v21, v0  }
0xc2: {  	v15 =	vadd.f32 v18, v15;
	v18 =	vld [tilespmem:s21+$0x4050]  }
0xc3: {  	v14 =	vadd.f32 v16, v14;
	v16 =	vld [tilespmem:s21+$0x4060]  }
0xc4: {  	v13 =	vadd.f32 v17, v13;
	v17 =	vld [tilespmem:s21+$0x4070]  }
0xc5: {  	v12 =	vadd.f32 v20, v12;
	v20 =	vld [tilespmem:s21+$0x4400]  }
.Ltmp3:
0xc6: {  	v11 =	vadd.f32 v19, v11;
	v19 =	vld [tilespmem:s21+$0x4410];
	(pc) =	sbr.rel @p0 .LBB2_9-.Ltmp3, $4  }
0xc7: {  	v10 =	vadd.f32 v18, v10;
	v18 =	vld [tilespmem:s21+$0x4420]  }
0xc8: {  	v9 =	vadd.f32 v16, v9;
	v16 =	vld [tilespmem:s21+$0x4430]  }
0xc9: {  	s22 =	sadd.s32 $0x80, s22;
	v7 =	vadd.f32 v17, v7;
	v17 =	vld [tilespmem:s21+$0x4440]  }
0xca: {  	s24 =	sand.u32 $0x3800, s23;
	s23 =	sadd.s32 $0x100, s23;
	s25 =	sand.u32 $0x380, s22;
	v8 =	vadd.f32 v20, v8;
	v20 =	vld [tilespmem:s21+$0x4450]  }
0xcb: {  	s22 =	sor.u32 s25, s24;
	v21 =	vld [tilespmem:s21+$0x4460]  }
0xcc: {  	v22 =	vld [tilespmem:s22+$0x4470]  }
0xcd: {  	v23 =	vld [tilespmem:s22+$0x4000]  }
0xce: {  	v24 =	vld [tilespmem:s22+$0x4010]  }
0xcf: {  	v25 =	vld [tilespmem:s22+$0x4020]  }
0xd0: {  	v26 =	vld [tilespmem:s22+$0x4030]  }
0xd1: {  	v27 =	vld [tilespmem:s22+$0x4040]  }
0xd2: {  	v28 =	vld [tilespmem:s22+$0x4050]  }
0xd3: {  	v29 =	vld [tilespmem:s22+$0x4060]  }
0xd4: {  	v30 =	vld [tilespmem:s22+$0x4070]  }
0xd5: {  	v31 =	vld [tilespmem:s22+$0x4400]  }
0xd6: {  	v32 =	vld [tilespmem:s22+$0x4410]  }
0xd7: {  	v33 =	vld [tilespmem:s22+$0x4420]  }
0xd8: {  	v34 =	vld [tilespmem:s22+$0x4430]  }
0xd9: {  	v35 =	vld [tilespmem:s22+$0x4440];
	v15 =	vadd.f32 v23, v15  }
0xda: {  	s20 =	sadd.s32 s20, s4;
	s31 =	sshll.u32 s19, $0x7;
	v36 =	vld [tilespmem:s22+$0x4450];
	v14 =	vadd.f32 v24, v14  }
0xdb: {  	v63 =	vld [tilespmem:s22+$0x4460];
	[tilespmem:s13], [sflag:$0x2] =	stream.linear.gather [hbm4b:s20+s3], $0x4000, $0x38;
	v13 =	vadd.f32 v25, v13;
	v15 =	vmul.f32 $6.250000090e-03, v15  }
0xdc: {  	s20 =	sand.u32 $0x3FFFFF80, s31;
	v12 =	vadd.f32 v26, v12;
	v14 =	vmul.f32 $6.250000090e-03, v14  }
0xdd: {  	v11 =	vadd.f32 v27, v11;
	v13 =	vmul.f32 $6.250000090e-03, v13;
	[tilespmem:s20+$0x8000] =	vst v15  }
0xde: {  	v10 =	vadd.f32 v28, v10;
	v12 =	vmul.f32 $6.250000090e-03, v12;
	[tilespmem:s20+$0x8010] =	vst v14  }
0xdf: {  	v9 =	vadd.f32 v29, v9;
	v11 =	vmul.f32 $6.250000090e-03, v11;
	[tilespmem:s20+$0x8020] =	vst v13  }
0xe0: {  	v6 =	vadd.f32 v19, v6;
	v7 =	vadd.f32 v30, v7;
	v10 =	vmul.f32 $6.250000090e-03, v10;
	[tilespmem:s20+$0x8030] =	vst v12  }
0xe1: {  	v5 =	vadd.f32 v18, v5;
	v8 =	vadd.f32 v31, v8;
	v9 =	vmul.f32 $6.250000090e-03, v9;
	[tilespmem:s20+$0x8040] =	vst v11  }
0xe2: {  	v4 =	vadd.f32 v16, v4;
	v6 =	vadd.f32 v32, v6;
	v7 =	vmul.f32 $6.250000090e-03, v7;
	[tilespmem:s20+$0x8050] =	vst v10  }
0xe3: {  	v3 =	vadd.f32 v17, v3;
	v5 =	vadd.f32 v33, v5;
	v8 =	vmul.f32 $6.250000090e-03, v8;
	[tilespmem:s20+$0x8060] =	vst v9  }
0xe4: {  	v2 =	vadd.f32 v20, v2;
	v4 =	vadd.f32 v34, v4;
	v6 =	vmul.f32 $6.250000090e-03, v6;
	[tilespmem:s20+$0x8070] =	vst v7  }
0xe5: {  	v3 =	vadd.f32 v35, v3;
	v5 =	vmul.f32 $6.250000090e-03, v5;
	[tilespmem:s20+$0x8400] =	vst v8  }
0xe6: {  	s19 =	sadd.s32 $0x1, s19;
	v1 =	vadd.f32 v21, v1;
	v2 =	vadd.f32 v36, v2;
	v4 =	vmul.f32 $6.250000090e-03, v4;
	[tilespmem:s20+$0x8410] =	vst v6  }
0xe7: {  	p0 =	sne.s32 s19, $0x8;
	v0 =	vadd.f32 v22, v0;
	v3 =	vmul.f32 $6.250000090e-03, v3;
	[tilespmem:s20+$0x8420] =	vst v5  }
.Ltmp4:
0xe8: {  	v1 =	vadd.f32 v63, v1;
	v2 =	vmul.f32 $6.250000090e-03, v2;
	[tilespmem:s20+$0x8430] =	vst v4;
	(pc) =	sbr.rel @p0 .LBB2_2-.Ltmp4, $4  }
0xe9: {  	v0 =	vmul.f32 $6.250000090e-03, v0;
	[tilespmem:s20+$0x8440] =	vst v3  }
0xea: {  	v1 =	vmul.f32 $6.250000090e-03, v1;
	[tilespmem:s20+$0x8450] =	vst v2  }
0xeb: {  	[tilespmem:s20+$0x8470] =	vst v0  }
0xec: {  	[tilespmem:s20+$0x8460] =	vst v1  }
0xed: {  	_ =	swait.ge [sflag:s14], $0x4000  }
0xee: {  	[sflag:s14] =	ssyncset.done $0x0  }
0xef: {  	[sflag:s14] =	ssyncadd.s32 $0xFFFFC000  }
0xf0: {  	s18 =	sadd.s32 $0x1, s18;
	_ =	swait.ge [sflag:s15], $0x4000  }
0xf1: {  	p0 =	sne.s32 s18, s12;
	[sflag:s15] =	ssyncset.done $0x0  }
.Ltmp5:
0xf2: {  	[sflag:s15] =	ssyncadd.s32 $0xFFFFC000;
	(pc) =	sbr.rel @p0 .LBB2_1-.Ltmp5, $4  }
0xf3: {  	[hbm4b:s11+s3] =	stream.linear.scatter [tilespmem:s16], [sflag:$0x3], $0x800, $0x38;
	[tilespmem:$0x8800] =	vst v63  }
0xf4: {  	_ =	swait.ge [sflag:s17], $0x800  }
0xf5: {  	[sflag:s17] =	ssyncset.done $0x0  }
0xf6: {  	[sflag:s17] =	ssyncadd.s32 $0xFFFFF800  }
0xf7: {  	_ =	sfence.sel $0x180000  }
0xf8: {  	[bflag:$0x0] =	sbarrier.arrive $0xFFFF  }
0xf9: {  	p0 =	sne.s32 s2, $0x0;
	_ =	strace $0x90000047  }
0xfa: {  	s0 =	sadd.s32 @!p0 $0x100000, s0;
	[bflag:$0x2] =	sbarrier.arrive $0xFFFF  }
0xfb: {  	[sflag:s0] =	ssyncadd.tile.s32 @!p0 $0x1;
	_ =	shalt  }
.Lfunc_end2:
_tile_overlayer_lowered:
.L_overlay_start_2:
0xfc: {  	(tag) =	ssettag $0x2  }
0xfd: {  	s0 =	rddreg [dreg:$0x0];
	s2 =	stileid.u32  }
0xfe: {  	s1 =	rddreg [dreg:$0x1];
	p0 =	sne.s32 s2, $0x0  }
0xff: {  	s3 =	rddreg [dreg:$0x2];
	[bflag:$0x3] =	sbarrier.arrive $0xFFFF;
	s2 =	simm.s32 @!p0 $0x1C03  }
0x100: {  	[timem:s3], [sflag:s2] =	dma.local @!p0 [hbm:s0], s1  }
0x101: {  	s0 =	simm.s32 @!p0 $0x3  }
0x102: {  	_ =	swait.ge @!p0 [sflag:s0], s1  }
0x103: {  	s1 =	ssub.s32 @!p0 $0x0, s1;
	[sflag:s0] =	ssyncset.done @!p0 $0x0  }
0x104: {  	[sflag:s0] =	ssyncadd.s32 @!p0 s1  }
0x105: {  	[bflag:$0x3] =	sbarrier.arrive $0xFFFF  }
0x106: {  	_ =	shalt  }

</sc_bundles>
